<compile_context>
chip_gen: v7x
topology: tpu7x:2x2x1
jax: 0.10.2.dev20260603
libtpu: 0.0.44.dev20260713+nightly
codegen_flags: <defaults>
</compile_context>

<pallas_src>
import dataclasses
import functools

import jax
import jax.numpy as jnp
from jax import lax
from jax.experimental import pallas as pl
from jax.experimental.pallas import tpu as pltpu
from jax.experimental.pallas import tpu_sc as plsc

_EMB = 128
_LANES = 16
_VPR = _EMB // _LANES

_NC = 2
_NS = 16
_NW = _NC * _NS

_UNROLL = 5
_LPAD = 128


def _pool_body(nb, nchunk, L, text_hbm, table_hbm, out_hbm, idx_v, rows0,
               rows1, stage0, stage1, sem0, sem1, semw0, semw1):
    c = lax.axis_index("c")
    s = lax.axis_index("s")
    wid = s * _NC + c
    bpw = nb * nchunk
    base_b = wid * bpw
    pltpu.sync_copy(text_hbm.at[pl.ds(base_b * _LPAD, bpw * _LPAD)], idx_v)

    bufs = (rows0, rows1)
    sems = (sem0, sem1)
    stages = (stage0, stage1)
    semws = (semw0, semw1)

    def fire(ci, k):
        for b in range(nb):
            pltpu.async_copy(
                table_hbm.at[idx_v.at[pl.ds((ci * nb + b) * _LPAD, L)]],
                bufs[k].at[pl.ds(b * L, L)], sems[k])

    def drain(ci, k):
        for b in range(nb):
            pltpu.make_async_copy(
                table_hbm.at[idx_v.at[pl.ds((ci * nb + b) * _LPAD, L)]],
                bufs[k].at[pl.ds(b * L, L)], sems[k]).wait()

    def consume(ci, k):
        b0 = base_b + ci * nb
        stg = stages[k]

        @pl.when(ci >= 2)
        def _():
            pltpu.make_async_copy(stg, out_hbm.at[pl.ds(b0, nb)],
                                  semws[k]).wait()

        @pl.loop(0, nb)
        def _acc(b):
            def lbody(t, accs, k=k):
                out = list(accs)
                for u in range(_UNROLL):
                    r = b * L + t * _UNROLL + u
                    for j in range(_VPR):
                        out[j] = out[j] + bufs[k][r, pl.ds(j * _LANES, _LANES)]
                return tuple(out)
            accs = lax.fori_loop(
                0, L // _UNROLL, lbody,
                tuple(jnp.zeros((_LANES,), jnp.float32) for _ in range(_VPR)))
            boff = (ci * nb + b) * _LPAD
            cnt = plsc.all_reduce_population_count(
                idx_v[pl.ds(boff, _LANES)] != 0)
            for t in range(1, _LPAD // _LANES):
                cnt = cnt + plsc.all_reduce_population_count(
                    idx_v[pl.ds(boff + t * _LANES, _LANES)] != 0)
            inv = 1.0 / jnp.maximum(cnt.astype(jnp.float32), 1.0)
            for j in range(_VPR):
                stg[b, pl.ds(j * _LANES, _LANES)] = accs[j] * inv

        pltpu.async_copy(stg, out_hbm.at[pl.ds(b0, nb)], semws[k])

    fire(0, 0)

    @pl.loop(0, nchunk, step=2)
    def _pair(ci):
        fire(ci + 1, 1)
        drain(ci, 0)
        consume(ci, 0)

        @pl.when(ci + 2 < nchunk)
        def _():
            fire(ci + 2, 0)

        drain(ci + 1, 1)
        consume(ci + 1, 1)

    for k in (0, 1):
        pltpu.make_async_copy(stages[k], out_hbm.at[pl.ds(base_b, nb)],
                              semws[k]).wait()


def _make_pool(B, L):
    nb = 8
    bpw = B // _NW
    nchunk = bpw // nb
    rows = nb * L
    mesh = plsc.VectorSubcoreMesh(core_axis_name="c", subcore_axis_name="s")
    cp = pltpu.CompilerParams()
    if "needs_layout_passes" in pltpu.CompilerParams.__dataclass_fields__:
        cp = dataclasses.replace(cp, needs_layout_passes=False)
    return pl.kernel(
        functools.partial(_pool_body, nb, nchunk, L),
        out_type=jax.ShapeDtypeStruct((B, _EMB), jnp.float32),
        mesh=mesh,
        compiler_params=cp,
        scratch_types=[
            pltpu.VMEM((bpw * _LPAD,), jnp.int32),
            pltpu.VMEM((rows, _EMB), jnp.float32),
            pltpu.VMEM((rows, _EMB), jnp.float32),
            pltpu.VMEM((nb, _EMB), jnp.float32),
            pltpu.VMEM((nb, _EMB), jnp.float32),
            pltpu.SemaphoreType.DMA,
            pltpu.SemaphoreType.DMA,
            pltpu.SemaphoreType.DMA,
            pltpu.SemaphoreType.DMA,
        ],
    )


def _mlp_body(p_ref, W1_ref, b1_ref, W2_ref, b2_ref, W3_ref, b3_ref, o_ref):
    dn = (((1,), (1,)), ((), ()))
    h = lax.dot_general(p_ref[...].astype(jnp.bfloat16), W1_ref[...], dn,
                        preferred_element_type=jnp.float32) + b1_ref[...]
    h = jnp.maximum(h, 0.0)
    h = lax.dot_general(h.astype(jnp.bfloat16), W2_ref[...], dn,
                        preferred_element_type=jnp.float32) + b2_ref[...]
    h = jnp.maximum(h, 0.0)
    o_ref[...] = lax.dot_general(h.astype(jnp.bfloat16), W3_ref[...], dn,
                                 preferred_element_type=jnp.float32) + b3_ref[...]


def _mlp(pooled, W1, b1, W2, b2, W3, b3):
    B = pooled.shape[0]
    H1 = W1.shape[0]
    H2 = W2.shape[0]
    OUT = W3.shape[0]
    BM = 2048
    grid = (B // BM,)
    full = lambda i: (0, 0)
    return pl.pallas_call(
        _mlp_body,
        grid=grid,
        in_specs=[
            pl.BlockSpec((BM, _EMB), lambda i: (i, 0)),
            pl.BlockSpec((H1, _EMB), full),
            pl.BlockSpec((1, H1), full),
            pl.BlockSpec((H2, H1), full),
            pl.BlockSpec((1, H2), full),
            pl.BlockSpec((OUT, H2), full),
            pl.BlockSpec((1, OUT), full),
        ],
        out_specs=pl.BlockSpec((BM, OUT), lambda i: (i, 0)),
        out_shape=jax.ShapeDtypeStruct((B, OUT), jnp.float32),
    )(pooled, W1, b1, W2, b2, W3, b3)


def kernel(text, table, W1, b1, W2, b2, W3, b3):
    B, L = text.shape
    pool = _make_pool(B, L)
    W1b = W1.astype(jnp.bfloat16)
    W2b = W2.astype(jnp.bfloat16)
    W3b = W3.astype(jnp.bfloat16)
    tp = jnp.pad(text.astype(jnp.int32), ((0, 0), (0, _LPAD - L)))
    pooled = pool(tp.reshape(-1), table)
    return _mlp(pooled, W1b, b1.reshape(1, -1), W2b, b2.reshape(1, -1),
                W3b, b3.reshape(1, -1))

# --- scband reference (transcript-rebuilt; emitter-appended) ---
"""Pipeline reference for scband-two-tower-44624710205754 (READ-ONLY COPY).

The authoritative reference and input builder live on the scoring server;
editing this copy changes nothing except your own understanding.
"""

import jax, jax.numpy as jnp
import numpy as np

VOCAB = 100000
EMB = 128
H1 = 1024
H2 = 1024
OUT = 128
B = 4096
L = 50

def setup_inputs(seed: int = 0) -> dict:
    key = jax.random.key(seed)
    k_text, k_tab, k1, k2, k3, kb1, kb2, kb3 = jax.random.split(key, 8)
    text = jax.random.randint(k_text, (B, L), 0, VOCAB, dtype=jnp.int64) if jax.config.read('jax_enable_x64') else jax.random.randint(k_text, (B, L), 0, VOCAB, dtype=jnp.int32)
    table = jax.random.normal(k_tab, (VOCAB, EMB), dtype=jnp.float32) * 0.02
    table = table.at[0].set(0.0)  # padding_idx=0 row is zero
    W1 = jax.random.normal(k1, (H1, EMB), dtype=jnp.float32) * (1.0 / np.sqrt(EMB))
    b1 = jax.random.normal(kb1, (H1,), dtype=jnp.float32) * 0.01
    W2 = jax.random.normal(k2, (H2, H1), dtype=jnp.float32) * (1.0 / np.sqrt(H1))
    b2 = jax.random.normal(kb2, (H2,), dtype=jnp.float32) * 0.01
    W3 = jax.random.normal(k3, (OUT, H2), dtype=jnp.float32) * (1.0 / np.sqrt(H2))
    b3 = jax.random.normal(kb3, (OUT,), dtype=jnp.float32) * 0.01
    return {"text": text, "table": table, "W1": W1, "b1": b1, "W2": W2, "b2": b2, "W3": W3, "b3": b3}

def reference(text, table, W1, b1, W2, b2, W3, b3):
    # nn.EmbeddingBag(mode='mean', padding_idx=0): gather rows, mean over non-padding indices
    emb = jnp.take(table, text, axis=0)              # [B, L, EMB]
    mask = (text != 0).astype(emb.dtype)             # padding excluded from mean
    summed = jnp.sum(emb * mask[..., None], axis=1)  # [B, EMB]
    cnt = jnp.maximum(jnp.sum(mask, axis=1), 1.0)    # [B]
    pooled = summed / cnt[:, None]
    # query tower MLP: Linear+ReLU, Linear+ReLU, Linear (last_linear=True)
    h = jax.nn.relu(pooled @ W1.T + b1)
    h = jax.nn.relu(h @ W2.T + b2)
    out = h @ W3.T + b3
    return out

if __name__ == "__main__":
    import jax
    _d = setup_inputs()
    print(jax.jit(kernel)(*tuple(_d.values())))

</pallas_src>

<mosaic_0001>
#map = affine_map<(d0, d1) -> (0)>
#map1 = affine_map<(d0, d1) -> (0, 0)>
module attributes {stable_mosaic.version = 14 : i64} {
  func.func @_pool_body(%arg0: i32, %arg1: i32, %arg2: memref<524288xi32, #tpu.memory_space<hbm>>, %arg3: memref<100000x128xf32, #tpu.memory_space<hbm>>, %arg4: memref<4096x128xf32, #tpu.memory_space<hbm>>, %arg5: memref<16384xi32, #tpu.memory_space<vmem>>, %arg6: memref<400x128xf32, #tpu.memory_space<vmem>>, %arg7: memref<400x128xf32, #tpu.memory_space<vmem>>, %arg8: memref<8x128xf32, #tpu.memory_space<vmem>>, %arg9: memref<8x128xf32, #tpu.memory_space<vmem>>, %arg10: memref<!tpu.dma_semaphore, #tpu.memory_space<semaphore_mem>>, %arg11: memref<!tpu.dma_semaphore, #tpu.memory_space<semaphore_mem>>, %arg12: memref<!tpu.dma_semaphore, #tpu.memory_space<semaphore_mem>>, %arg13: memref<!tpu.dma_semaphore, #tpu.memory_space<semaphore_mem>>) attributes {dimension_semantics = [#tpu.dimension_semantics<core_parallel>, #tpu.dimension_semantics<subcore_parallel>], iteration_bounds = array<i64: 2, 16>, scalar_prefetch = 0 : i64, scratch_operands = 9 : i64, tpu.core_type = #tpu.core_type<sc_vector_subcore>, window_params = [{transform_indices = #map}, {transform_indices = #map1}, {transform_indices = #map1}]} {
    %mul3A = arith.constant 2 : i32
    %mul3A_0 = arith.muli %arg1, %mul3A : i32
    %add3A = arith.addi %mul3A_0, %arg0 : i32
    %mul3A_1 = arith.constant 128 : i32
    %mul3A_2 = arith.muli %add3A, %mul3A_1 : i32
    %mul3A_3 = arith.constant 128 : i32
    %mul3A_4 = arith.muli %mul3A_2, %mul3A_3 : i32
    "tpu.region"() ({
      %run_scoped3A = tpu.sem_alloc : memref<!tpu.dma_semaphore, #tpu.memory_space<semaphore_mem>>
      %dma_start3A_79 = tpu.memref_slice %arg2[%mul3A_4] : memref<524288xi32, #tpu.memory_space<hbm>> -> memref<16384xi32, #tpu.memory_space<hbm>>
      %dma_start3A_80 = tpu.memref_slice %arg2[%mul3A_4] : memref<524288xi32, #tpu.memory_space<hbm>> -> memref<16384xi32, #tpu.memory_space<hbm>>
      tpu.enqueue_dma source(%dma_start3A_80 : memref<16384xi32, #tpu.memory_space<hbm>>) target(%arg5 : memref<16384xi32, #tpu.memory_space<vmem>>) target_semaphore(%run_scoped3A : memref<!tpu.dma_semaphore, #tpu.memory_space<semaphore_mem>>)
      %dma_wait3A_81 = tpu.memref_slice %arg2[%mul3A_4] : memref<524288xi32, #tpu.memory_space<hbm>> -> memref<16384xi32, #tpu.memory_space<hbm>>
      %dma_wait3A_82 = tpu.memref_slice %arg2[%mul3A_4] : memref<524288xi32, #tpu.memory_space<hbm>> -> memref<16384xi32, #tpu.memory_space<hbm>>
      tpu.wait_dma2 semaphore(%run_scoped3A : memref<!tpu.dma_semaphore, #tpu.memory_space<semaphore_mem>>) src(%dma_wait3A_82 : memref<16384xi32, #tpu.memory_space<hbm>>) dst(%arg5 : memref<16384xi32, #tpu.memory_space<vmem>>)
      tpu.yield
    }) : () -> ()
    %dma_start3A = arith.constant 0 : i32
    %dma_start3A_5 = arith.constant 0 : i32
    %dma_start3A_6 = tpu.memref_slice %arg6[%dma_start3A, %dma_start3A_5] : memref<400x128xf32, #tpu.memory_space<vmem>> -> memref<50x128xf32, #tpu.memory_space<vmem>>
    %dma_start3A_7 = arith.constant 0 : i32
    %dma_start3A_8 = tpu.memref_slice %arg5[%dma_start3A_7] : memref<16384xi32, #tpu.memory_space<vmem>> -> memref<50xi32, #tpu.memory_space<vmem>>
    %dma_start3A_9 = arith.constant 0 : i32
    %dma_start3A_10 = arith.constant 0 : i32
    %dma_start3A_11 = tpu.memref_slice %arg3[%dma_start3A_9, %dma_start3A_10] : memref<100000x128xf32, #tpu.memory_space<hbm>> -> memref<100000x128xf32, #tpu.memory_space<hbm>>
    tpu.enqueue_indirect_dma source(%dma_start3A_11 : memref<100000x128xf32, #tpu.memory_space<hbm>>) target(%dma_start3A_6 : memref<50x128xf32, #tpu.memory_space<vmem>>) offsets(%dma_start3A_8 : memref<50xi32, #tpu.memory_space<vmem>>) semaphore(%arg10 : memref<!tpu.dma_semaphore, #tpu.memory_space<semaphore_mem>>)
    %dma_start3A_12 = arith.constant 50 : i32
    %dma_start3A_13 = arith.constant 0 : i32
    %dma_start3A_14 = tpu.memref_slice %arg6[%dma_start3A_12, %dma_start3A_13] : memref<400x128xf32, #tpu.memory_space<vmem>> -> memref<50x128xf32, #tpu.memory_space<vmem>>
    %dma_start3A_15 = arith.constant 128 : i32
    %dma_start3A_16 = tpu.memref_slice %arg5[%dma_start3A_15] : memref<16384xi32, #tpu.memory_space<vmem>> -> memref<50xi32, #tpu.memory_space<vmem>>
    %dma_start3A_17 = arith.constant 0 : i32
    %dma_start3A_18 = arith.constant 0 : i32
    %dma_start3A_19 = tpu.memref_slice %arg3[%dma_start3A_17, %dma_start3A_18] : memref<100000x128xf32, #tpu.memory_space<hbm>> -> memref<100000x128xf32, #tpu.memory_space<hbm>>
    tpu.enqueue_indirect_dma source(%dma_start3A_19 : memref<100000x128xf32, #tpu.memory_space<hbm>>) target(%dma_start3A_14 : memref<50x128xf32, #tpu.memory_space<vmem>>) offsets(%dma_start3A_16 : memref<50xi32, #tpu.memory_space<vmem>>) semaphore(%arg10 : memref<!tpu.dma_semaphore, #tpu.memory_space<semaphore_mem>>)
    %dma_start3A_20 = arith.constant 100 : i32
    %dma_start3A_21 = arith.constant 0 : i32
    %dma_start3A_22 = tpu.memref_slice %arg6[%dma_start3A_20, %dma_start3A_21] : memref<400x128xf32, #tpu.memory_space<vmem>> -> memref<50x128xf32, #tpu.memory_space<vmem>>
    %dma_start3A_23 = arith.constant 256 : i32
    %dma_start3A_24 = tpu.memref_slice %arg5[%dma_start3A_23] : memref<16384xi32, #tpu.memory_space<vmem>> -> memref<50xi32, #tpu.memory_space<vmem>>
    %dma_start3A_25 = arith.constant 0 : i32
    %dma_start3A_26 = arith.constant 0 : i32
    %dma_start3A_27 = tpu.memref_slice %arg3[%dma_start3A_25, %dma_start3A_26] : memref<100000x128xf32, #tpu.memory_space<hbm>> -> memref<100000x128xf32, #tpu.memory_space<hbm>>
    tpu.enqueue_indirect_dma source(%dma_start3A_27 : memref<100000x128xf32, #tpu.memory_space<hbm>>) target(%dma_start3A_22 : memref<50x128xf32, #tpu.memory_space<vmem>>) offsets(%dma_start3A_24 : memref<50xi32, #tpu.memory_space<vmem>>) semaphore(%arg10 : memref<!tpu.dma_semaphore, #tpu.memory_space<semaphore_mem>>)
    %dma_start3A_28 = arith.constant 150 : i32
    %dma_start3A_29 = arith.constant 0 : i32
    %dma_start3A_30 = tpu.memref_slice %arg6[%dma_start3A_28, %dma_start3A_29] : memref<400x128xf32, #tpu.memory_space<vmem>> -> memref<50x128xf32, #tpu.memory_space<vmem>>
    %dma_start3A_31 = arith.constant 384 : i32
    %dma_start3A_32 = tpu.memref_slice %arg5[%dma_start3A_31] : memref<16384xi32, #tpu.memory_space<vmem>> -> memref<50xi32, #tpu.memory_space<vmem>>
    %dma_start3A_33 = arith.constant 0 : i32
    %dma_start3A_34 = arith.constant 0 : i32
    %dma_start3A_35 = tpu.memref_slice %arg3[%dma_start3A_33, %dma_start3A_34] : memref<100000x128xf32, #tpu.memory_space<hbm>> -> memref<100000x128xf32, #tpu.memory_space<hbm>>
    tpu.enqueue_indirect_dma source(%dma_start3A_35 : memref<100000x128xf32, #tpu.memory_space<hbm>>) target(%dma_start3A_30 : memref<50x128xf32, #tpu.memory_space<vmem>>) offsets(%dma_start3A_32 : memref<50xi32, #tpu.memory_space<vmem>>) semaphore(%arg10 : memref<!tpu.dma_semaphore, #tpu.memory_space<semaphore_mem>>)
    %dma_start3A_36 = arith.constant 200 : i32
    %dma_start3A_37 = arith.constant 0 : i32
    %dma_start3A_38 = tpu.memref_slice %arg6[%dma_start3A_36, %dma_start3A_37] : memref<400x128xf32, #tpu.memory_space<vmem>> -> memref<50x128xf32, #tpu.memory_space<vmem>>
    %dma_start3A_39 = arith.constant 512 : i32
    %dma_start3A_40 = tpu.memref_slice %arg5[%dma_start3A_39] : memref<16384xi32, #tpu.memory_space<vmem>> -> memref<50xi32, #tpu.memory_space<vmem>>
    %dma_start3A_41 = arith.constant 0 : i32
    %dma_start3A_42 = arith.constant 0 : i32
    %dma_start3A_43 = tpu.memref_slice %arg3[%dma_start3A_41, %dma_start3A_42] : memref<100000x128xf32, #tpu.memory_space<hbm>> -> memref<100000x128xf32, #tpu.memory_space<hbm>>
    tpu.enqueue_indirect_dma source(%dma_start3A_43 : memref<100000x128xf32, #tpu.memory_space<hbm>>) target(%dma_start3A_38 : memref<50x128xf32, #tpu.memory_space<vmem>>) offsets(%dma_start3A_40 : memref<50xi32, #tpu.memory_space<vmem>>) semaphore(%arg10 : memref<!tpu.dma_semaphore, #tpu.memory_space<semaphore_mem>>)
    %dma_start3A_44 = arith.constant 250 : i32
    %dma_start3A_45 = arith.constant 0 : i32
    %dma_start3A_46 = tpu.memref_slice %arg6[%dma_start3A_44, %dma_start3A_45] : memref<400x128xf32, #tpu.memory_space<vmem>> -> memref<50x128xf32, #tpu.memory_space<vmem>>
    %dma_start3A_47 = arith.constant 640 : i32
    %dma_start3A_48 = tpu.memref_slice %arg5[%dma_start3A_47] : memref<16384xi32, #tpu.memory_space<vmem>> -> memref<50xi32, #tpu.memory_space<vmem>>
    %dma_start3A_49 = arith.constant 0 : i32
    %dma_start3A_50 = arith.constant 0 : i32
    %dma_start3A_51 = tpu.memref_slice %arg3[%dma_start3A_49, %dma_start3A_50] : memref<100000x128xf32, #tpu.memory_space<hbm>> -> memref<100000x128xf32, #tpu.memory_space<hbm>>
    tpu.enqueue_indirect_dma source(%dma_start3A_51 : memref<100000x128xf32, #tpu.memory_space<hbm>>) target(%dma_start3A_46 : memref<50x128xf32, #tpu.memory_space<vmem>>) offsets(%dma_start3A_48 : memref<50xi32, #tpu.memory_space<vmem>>) semaphore(%arg10 : memref<!tpu.dma_semaphore, #tpu.memory_space<semaphore_mem>>)
    %dma_start3A_52 = arith.constant 300 : i32
    %dma_start3A_53 = arith.constant 0 : i32
    %dma_start3A_54 = tpu.memref_slice %arg6[%dma_start3A_52, %dma_start3A_53] : memref<400x128xf32, #tpu.memory_space<vmem>> -> memref<50x128xf32, #tpu.memory_space<vmem>>
    %dma_start3A_55 = arith.constant 768 : i32
    %dma_start3A_56 = tpu.memref_slice %arg5[%dma_start3A_55] : memref<16384xi32, #tpu.memory_space<vmem>> -> memref<50xi32, #tpu.memory_space<vmem>>
    %dma_start3A_57 = arith.constant 0 : i32
    %dma_start3A_58 = arith.constant 0 : i32
    %dma_start3A_59 = tpu.memref_slice %arg3[%dma_start3A_57, %dma_start3A_58] : memref<100000x128xf32, #tpu.memory_space<hbm>> -> memref<100000x128xf32, #tpu.memory_space<hbm>>
    tpu.enqueue_indirect_dma source(%dma_start3A_59 : memref<100000x128xf32, #tpu.memory_space<hbm>>) target(%dma_start3A_54 : memref<50x128xf32, #tpu.memory_space<vmem>>) offsets(%dma_start3A_56 : memref<50xi32, #tpu.memory_space<vmem>>) semaphore(%arg10 : memref<!tpu.dma_semaphore, #tpu.memory_space<semaphore_mem>>)
    %dma_start3A_60 = arith.constant 350 : i32
    %dma_start3A_61 = arith.constant 0 : i32
    %dma_start3A_62 = tpu.memref_slice %arg6[%dma_start3A_60, %dma_start3A_61] : memref<400x128xf32, #tpu.memory_space<vmem>> -> memref<50x128xf32, #tpu.memory_space<vmem>>
    %dma_start3A_63 = arith.constant 896 : i32
    %dma_start3A_64 = tpu.memref_slice %arg5[%dma_start3A_63] : memref<16384xi32, #tpu.memory_space<vmem>> -> memref<50xi32, #tpu.memory_space<vmem>>
    %dma_start3A_65 = arith.constant 0 : i32
    %dma_start3A_66 = arith.constant 0 : i32
    %dma_start3A_67 = tpu.memref_slice %arg3[%dma_start3A_65, %dma_start3A_66] : memref<100000x128xf32, #tpu.memory_space<hbm>> -> memref<100000x128xf32, #tpu.memory_space<hbm>>
    tpu.enqueue_indirect_dma source(%dma_start3A_67 : memref<100000x128xf32, #tpu.memory_space<hbm>>) target(%dma_start3A_62 : memref<50x128xf32, #tpu.memory_space<vmem>>) offsets(%dma_start3A_64 : memref<50xi32, #tpu.memory_space<vmem>>) semaphore(%arg10 : memref<!tpu.dma_semaphore, #tpu.memory_space<semaphore_mem>>)
    %scan3A = arith.constant 0 : i32
    %scan3A_68 = arith.constant 8 : i32
    %scan3A_69 = arith.addi %scan3A, %scan3A_68 : i32
    %scan3A_70 = arith.constant 1 : i32
    scf.for %scan3A_79 = %scan3A to %scan3A_69 step %scan3A_70  : i32 {
      %mul3A_80 = arith.constant 2 : i32
      %mul3A_81 = arith.muli %scan3A_79, %mul3A_80 : i32
      %add3A_82 = arith.constant 0 : i32
      %add3A_83 = arith.addi %add3A_82, %mul3A_81 : i32
      %add3A_84 = arith.constant 1 : i32
      %add3A_85 = arith.addi %add3A_83, %add3A_84 : i32
      %mul3A_86 = arith.constant 8 : i32
      %mul3A_87 = arith.muli %add3A_85, %mul3A_86 : i32
      %add3A_88 = arith.constant 0 : i32
      %add3A_89 = arith.addi %mul3A_87, %add3A_88 : i32
      %mul3A_90 = arith.constant 128 : i32
      %mul3A_91 = arith.muli %add3A_89, %mul3A_90 : i32
      %dma_start3A_92 = arith.constant 0 : i32
      %dma_start3A_93 = arith.constant 0 : i32
      %dma_start3A_94 = tpu.memref_slice %arg7[%dma_start3A_92, %dma_start3A_93] : memref<400x128xf32, #tpu.memory_space<vmem>> -> memref<50x128xf32, #tpu.memory_space<vmem>>
      %dma_start3A_95 = tpu.memref_slice %arg5[%mul3A_91] : memref<16384xi32, #tpu.memory_space<vmem>> -> memref<50xi32, #tpu.memory_space<vmem>>
      %dma_start3A_96 = arith.constant 0 : i32
      %dma_start3A_97 = arith.constant 0 : i32
      %dma_start3A_98 = tpu.memref_slice %arg3[%dma_start3A_96, %dma_start3A_97] : memref<100000x128xf32, #tpu.memory_space<hbm>> -> memref<100000x128xf32, #tpu.memory_space<hbm>>
      tpu.enqueue_indirect_dma source(%dma_start3A_98 : memref<100000x128xf32, #tpu.memory_space<hbm>>) target(%dma_start3A_94 : memref<50x128xf32, #tpu.memory_space<vmem>>) offsets(%dma_start3A_95 : memref<50xi32, #tpu.memory_space<vmem>>) semaphore(%arg11 : memref<!tpu.dma_semaphore, #tpu.memory_space<semaphore_mem>>)
      %mul3A_99 = arith.constant 8 : i32
      %mul3A_100 = arith.muli %add3A_85, %mul3A_99 : i32
      %add3A_101 = arith.constant 1 : i32
      %add3A_102 = arith.addi %mul3A_100, %add3A_101 : i32
      %mul3A_103 = arith.constant 128 : i32
      %mul3A_104 = arith.muli %add3A_102, %mul3A_103 : i32
      %dma_start3A_105 = arith.constant 50 : i32
      %dma_start3A_106 = arith.constant 0 : i32
      %dma_start3A_107 = tpu.memref_slice %arg7[%dma_start3A_105, %dma_start3A_106] : memref<400x128xf32, #tpu.memory_space<vmem>> -> memref<50x128xf32, #tpu.memory_space<vmem>>
      %dma_start3A_108 = tpu.memref_slice %arg5[%mul3A_104] : memref<16384xi32, #tpu.memory_space<vmem>> -> memref<50xi32, #tpu.memory_space<vmem>>
      %dma_start3A_109 = arith.constant 0 : i32
      %dma_start3A_110 = arith.constant 0 : i32
      %dma_start3A_111 = tpu.memref_slice %arg3[%dma_start3A_109, %dma_start3A_110] : memref<100000x128xf32, #tpu.memory_space<hbm>> -> memref<100000x128xf32, #tpu.memory_space<hbm>>
      tpu.enqueue_indirect_dma source(%dma_start3A_111 : memref<100000x128xf32, #tpu.memory_space<hbm>>) target(%dma_start3A_107 : memref<50x128xf32, #tpu.memory_space<vmem>>) offsets(%dma_start3A_108 : memref<50xi32, #tpu.memory_space<vmem>>) semaphore(%arg11 : memref<!tpu.dma_semaphore, #tpu.memory_space<semaphore_mem>>)
      %mul3A_112 = arith.constant 8 : i32
      %mul3A_113 = arith.muli %add3A_85, %mul3A_112 : i32
      %add3A_114 = arith.constant 2 : i32
      %add3A_115 = arith.addi %mul3A_113, %add3A_114 : i32
      %mul3A_116 = arith.constant 128 : i32
      %mul3A_117 = arith.muli %add3A_115, %mul3A_116 : i32
      %dma_start3A_118 = arith.constant 100 : i32
      %dma_start3A_119 = arith.constant 0 : i32
      %dma_start3A_120 = tpu.memref_slice %arg7[%dma_start3A_118, %dma_start3A_119] : memref<400x128xf32, #tpu.memory_space<vmem>> -> memref<50x128xf32, #tpu.memory_space<vmem>>
      %dma_start3A_121 = tpu.memref_slice %arg5[%mul3A_117] : memref<16384xi32, #tpu.memory_space<vmem>> -> memref<50xi32, #tpu.memory_space<vmem>>
      %dma_start3A_122 = arith.constant 0 : i32
      %dma_start3A_123 = arith.constant 0 : i32
      %dma_start3A_124 = tpu.memref_slice %arg3[%dma_start3A_122, %dma_start3A_123] : memref<100000x128xf32, #tpu.memory_space<hbm>> -> memref<100000x128xf32, #tpu.memory_space<hbm>>
      tpu.enqueue_indirect_dma source(%dma_start3A_124 : memref<100000x128xf32, #tpu.memory_space<hbm>>) target(%dma_start3A_120 : memref<50x128xf32, #tpu.memory_space<vmem>>) offsets(%dma_start3A_121 : memref<50xi32, #tpu.memory_space<vmem>>) semaphore(%arg11 : memref<!tpu.dma_semaphore, #tpu.memory_space<semaphore_mem>>)
      %mul3A_125 = arith.constant 8 : i32
      %mul3A_126 = arith.muli %add3A_85, %mul3A_125 : i32
      %add3A_127 = arith.constant 3 : i32
      %add3A_128 = arith.addi %mul3A_126, %add3A_127 : i32
      %mul3A_129 = arith.constant 128 : i32
      %mul3A_130 = arith.muli %add3A_128, %mul3A_129 : i32
      %dma_start3A_131 = arith.constant 150 : i32
      %dma_start3A_132 = arith.constant 0 : i32
      %dma_start3A_133 = tpu.memref_slice %arg7[%dma_start3A_131, %dma_start3A_132] : memref<400x128xf32, #tpu.memory_space<vmem>> -> memref<50x128xf32, #tpu.memory_space<vmem>>
      %dma_start3A_134 = tpu.memref_slice %arg5[%mul3A_130] : memref<16384xi32, #tpu.memory_space<vmem>> -> memref<50xi32, #tpu.memory_space<vmem>>
      %dma_start3A_135 = arith.constant 0 : i32
      %dma_start3A_136 = arith.constant 0 : i32
      %dma_start3A_137 = tpu.memref_slice %arg3[%dma_start3A_135, %dma_start3A_136] : memref<100000x128xf32, #tpu.memory_space<hbm>> -> memref<100000x128xf32, #tpu.memory_space<hbm>>
      tpu.enqueue_indirect_dma source(%dma_start3A_137 : memref<100000x128xf32, #tpu.memory_space<hbm>>) target(%dma_start3A_133 : memref<50x128xf32, #tpu.memory_space<vmem>>) offsets(%dma_start3A_134 : memref<50xi32, #tpu.memory_space<vmem>>) semaphore(%arg11 : memref<!tpu.dma_semaphore, #tpu.memory_space<semaphore_mem>>)
      %mul3A_138 = arith.constant 8 : i32
      %mul3A_139 = arith.muli %add3A_85, %mul3A_138 : i32
      %add3A_140 = arith.constant 4 : i32
      %add3A_141 = arith.addi %mul3A_139, %add3A_140 : i32
      %mul3A_142 = arith.constant 128 : i32
      %mul3A_143 = arith.muli %add3A_141, %mul3A_142 : i32
      %dma_start3A_144 = arith.constant 200 : i32
      %dma_start3A_145 = arith.constant 0 : i32
      %dma_start3A_146 = tpu.memref_slice %arg7[%dma_start3A_144, %dma_start3A_145] : memref<400x128xf32, #tpu.memory_space<vmem>> -> memref<50x128xf32, #tpu.memory_space<vmem>>
      %dma_start3A_147 = tpu.memref_slice %arg5[%mul3A_143] : memref<16384xi32, #tpu.memory_space<vmem>> -> memref<50xi32, #tpu.memory_space<vmem>>
      %dma_start3A_148 = arith.constant 0 : i32
      %dma_start3A_149 = arith.constant 0 : i32
      %dma_start3A_150 = tpu.memref_slice %arg3[%dma_start3A_148, %dma_start3A_149] : memref<100000x128xf32, #tpu.memory_space<hbm>> -> memref<100000x128xf32, #tpu.memory_space<hbm>>
      tpu.enqueue_indirect_dma source(%dma_start3A_150 : memref<100000x128xf32, #tpu.memory_space<hbm>>) target(%dma_start3A_146 : memref<50x128xf32, #tpu.memory_space<vmem>>) offsets(%dma_start3A_147 : memref<50xi32, #tpu.memory_space<vmem>>) semaphore(%arg11 : memref<!tpu.dma_semaphore, #tpu.memory_space<semaphore_mem>>)
      %mul3A_151 = arith.constant 8 : i32
      %mul3A_152 = arith.muli %add3A_85, %mul3A_151 : i32
      %add3A_153 = arith.constant 5 : i32
      %add3A_154 = arith.addi %mul3A_152, %add3A_153 : i32
      %mul3A_155 = arith.constant 128 : i32
      %mul3A_156 = arith.muli %add3A_154, %mul3A_155 : i32
      %dma_start3A_157 = arith.constant 250 : i32
      %dma_start3A_158 = arith.constant 0 : i32
      %dma_start3A_159 = tpu.memref_slice %arg7[%dma_start3A_157, %dma_start3A_158] : memref<400x128xf32, #tpu.memory_space<vmem>> -> memref<50x128xf32, #tpu.memory_space<vmem>>
      %dma_start3A_160 = tpu.memref_slice %arg5[%mul3A_156] : memref<16384xi32, #tpu.memory_space<vmem>> -> memref<50xi32, #tpu.memory_space<vmem>>
      %dma_start3A_161 = arith.constant 0 : i32
      %dma_start3A_162 = arith.constant 0 : i32
      %dma_start3A_163 = tpu.memref_slice %arg3[%dma_start3A_161, %dma_start3A_162] : memref<100000x128xf32, #tpu.memory_space<hbm>> -> memref<100000x128xf32, #tpu.memory_space<hbm>>
      tpu.enqueue_indirect_dma source(%dma_start3A_163 : memref<100000x128xf32, #tpu.memory_space<hbm>>) target(%dma_start3A_159 : memref<50x128xf32, #tpu.memory_space<vmem>>) offsets(%dma_start3A_160 : memref<50xi32, #tpu.memory_space<vmem>>) semaphore(%arg11 : memref<!tpu.dma_semaphore, #tpu.memory_space<semaphore_mem>>)
      %mul3A_164 = arith.constant 8 : i32
      %mul3A_165 = arith.muli %add3A_85, %mul3A_164 : i32
      %add3A_166 = arith.constant 6 : i32
      %add3A_167 = arith.addi %mul3A_165, %add3A_166 : i32
      %mul3A_168 = arith.constant 128 : i32
      %mul3A_169 = arith.muli %add3A_167, %mul3A_168 : i32
      %dma_start3A_170 = arith.constant 300 : i32
      %dma_start3A_171 = arith.constant 0 : i32
      %dma_start3A_172 = tpu.memref_slice %arg7[%dma_start3A_170, %dma_start3A_171] : memref<400x128xf32, #tpu.memory_space<vmem>> -> memref<50x128xf32, #tpu.memory_space<vmem>>
      %dma_start3A_173 = tpu.memref_slice %arg5[%mul3A_169] : memref<16384xi32, #tpu.memory_space<vmem>> -> memref<50xi32, #tpu.memory_space<vmem>>
      %dma_start3A_174 = arith.constant 0 : i32
      %dma_start3A_175 = arith.constant 0 : i32
      %dma_start3A_176 = tpu.memref_slice %arg3[%dma_start3A_174, %dma_start3A_175] : memref<100000x128xf32, #tpu.memory_space<hbm>> -> memref<100000x128xf32, #tpu.memory_space<hbm>>
      tpu.enqueue_indirect_dma source(%dma_start3A_176 : memref<100000x128xf32, #tpu.memory_space<hbm>>) target(%dma_start3A_172 : memref<50x128xf32, #tpu.memory_space<vmem>>) offsets(%dma_start3A_173 : memref<50xi32, #tpu.memory_space<vmem>>) semaphore(%arg11 : memref<!tpu.dma_semaphore, #tpu.memory_space<semaphore_mem>>)
      %mul3A_177 = arith.constant 8 : i32
      %mul3A_178 = arith.muli %add3A_85, %mul3A_177 : i32
      %add3A_179 = arith.constant 7 : i32
      %add3A_180 = arith.addi %mul3A_178, %add3A_179 : i32
      %mul3A_181 = arith.constant 128 : i32
      %mul3A_182 = arith.muli %add3A_180, %mul3A_181 : i32
      %dma_start3A_183 = arith.constant 350 : i32
      %dma_start3A_184 = arith.constant 0 : i32
      %dma_start3A_185 = tpu.memref_slice %arg7[%dma_start3A_183, %dma_start3A_184] : memref<400x128xf32, #tpu.memory_space<vmem>> -> memref<50x128xf32, #tpu.memory_space<vmem>>
      %dma_start3A_186 = tpu.memref_slice %arg5[%mul3A_182] : memref<16384xi32, #tpu.memory_space<vmem>> -> memref<50xi32, #tpu.memory_space<vmem>>
      %dma_start3A_187 = arith.constant 0 : i32
      %dma_start3A_188 = arith.constant 0 : i32
      %dma_start3A_189 = tpu.memref_slice %arg3[%dma_start3A_187, %dma_start3A_188] : memref<100000x128xf32, #tpu.memory_space<hbm>> -> memref<100000x128xf32, #tpu.memory_space<hbm>>
      tpu.enqueue_indirect_dma source(%dma_start3A_189 : memref<100000x128xf32, #tpu.memory_space<hbm>>) target(%dma_start3A_185 : memref<50x128xf32, #tpu.memory_space<vmem>>) offsets(%dma_start3A_186 : memref<50xi32, #tpu.memory_space<vmem>>) semaphore(%arg11 : memref<!tpu.dma_semaphore, #tpu.memory_space<semaphore_mem>>)
      %mul3A_190 = arith.constant 8 : i32
      %mul3A_191 = arith.muli %add3A_83, %mul3A_190 : i32
      %add3A_192 = arith.constant 0 : i32
      %add3A_193 = arith.addi %mul3A_191, %add3A_192 : i32
      %mul3A_194 = arith.constant 128 : i32
      %mul3A_195 = arith.muli %add3A_193, %mul3A_194 : i32
      %dma_wait3A_196 = arith.constant 0 : i32
      %dma_wait3A_197 = arith.constant 0 : i32
      %dma_wait3A_198 = tpu.memref_slice %arg6[%dma_wait3A_196, %dma_wait3A_197] : memref<400x128xf32, #tpu.memory_space<vmem>> -> memref<50x128xf32, #tpu.memory_space<vmem>>
      %dma_wait3A_199 = tpu.memref_slice %arg5[%mul3A_195] : memref<16384xi32, #tpu.memory_space<vmem>> -> memref<50xi32, #tpu.memory_space<vmem>>
      %dma_wait3A_200 = arith.constant 0 : i32
      %dma_wait3A_201 = arith.constant 0 : i32
      %dma_wait3A_202 = tpu.memref_slice %arg3[%dma_wait3A_200, %dma_wait3A_201] : memref<100000x128xf32, #tpu.memory_space<hbm>> -> memref<100000x128xf32, #tpu.memory_space<hbm>>
      tpu.wait_indirect_dma semaphore(%arg10 : memref<!tpu.dma_semaphore, #tpu.memory_space<semaphore_mem>>) src(%dma_wait3A_202 : memref<100000x128xf32, #tpu.memory_space<hbm>>) dst(%dma_wait3A_198 : memref<50x128xf32, #tpu.memory_space<vmem>>)
      %mul3A_203 = arith.constant 8 : i32
      %mul3A_204 = arith.muli %add3A_83, %mul3A_203 : i32
      %add3A_205 = arith.constant 1 : i32
      %add3A_206 = arith.addi %mul3A_204, %add3A_205 : i32
      %mul3A_207 = arith.constant 128 : i32
      %mul3A_208 = arith.muli %add3A_206, %mul3A_207 : i32
      %dma_wait3A_209 = arith.constant 50 : i32
      %dma_wait3A_210 = arith.constant 0 : i32
      %dma_wait3A_211 = tpu.memref_slice %arg6[%dma_wait3A_209, %dma_wait3A_210] : memref<400x128xf32, #tpu.memory_space<vmem>> -> memref<50x128xf32, #tpu.memory_space<vmem>>
      %dma_wait3A_212 = tpu.memref_slice %arg5[%mul3A_208] : memref<16384xi32, #tpu.memory_space<vmem>> -> memref<50xi32, #tpu.memory_space<vmem>>
      %dma_wait3A_213 = arith.constant 0 : i32
      %dma_wait3A_214 = arith.constant 0 : i32
      %dma_wait3A_215 = tpu.memref_slice %arg3[%dma_wait3A_213, %dma_wait3A_214] : memref<100000x128xf32, #tpu.memory_space<hbm>> -> memref<100000x128xf32, #tpu.memory_space<hbm>>
      tpu.wait_indirect_dma semaphore(%arg10 : memref<!tpu.dma_semaphore, #tpu.memory_space<semaphore_mem>>) src(%dma_wait3A_215 : memref<100000x128xf32, #tpu.memory_space<hbm>>) dst(%dma_wait3A_211 : memref<50x128xf32, #tpu.memory_space<vmem>>)
      %mul3A_216 = arith.constant 8 : i32
      %mul3A_217 = arith.muli %add3A_83, %mul3A_216 : i32
      %add3A_218 = arith.constant 2 : i32
      %add3A_219 = arith.addi %mul3A_217, %add3A_218 : i32
      %mul3A_220 = arith.constant 128 : i32
      %mul3A_221 = arith.muli %add3A_219, %mul3A_220 : i32
      %dma_wait3A_222 = arith.constant 100 : i32
      %dma_wait3A_223 = arith.constant 0 : i32
      %dma_wait3A_224 = tpu.memref_slice %arg6[%dma_wait3A_222, %dma_wait3A_223] : memref<400x128xf32, #tpu.memory_space<vmem>> -> memref<50x128xf32, #tpu.memory_space<vmem>>
      %dma_wait3A_225 = tpu.memref_slice %arg5[%mul3A_221] : memref<16384xi32, #tpu.memory_space<vmem>> -> memref<50xi32, #tpu.memory_space<vmem>>
      %dma_wait3A_226 = arith.constant 0 : i32
      %dma_wait3A_227 = arith.constant 0 : i32
      %dma_wait3A_228 = tpu.memref_slice %arg3[%dma_wait3A_226, %dma_wait3A_227] : memref<100000x128xf32, #tpu.memory_space<hbm>> -> memref<100000x128xf32, #tpu.memory_space<hbm>>
      tpu.wait_indirect_dma semaphore(%arg10 : memref<!tpu.dma_semaphore, #tpu.memory_space<semaphore_mem>>) src(%dma_wait3A_228 : memref<100000x128xf32, #tpu.memory_space<hbm>>) dst(%dma_wait3A_224 : memref<50x128xf32, #tpu.memory_space<vmem>>)
      %mul3A_229 = arith.constant 8 : i32
      %mul3A_230 = arith.muli %add3A_83, %mul3A_229 : i32
      %add3A_231 = arith.constant 3 : i32
      %add3A_232 = arith.addi %mul3A_230, %add3A_231 : i32
      %mul3A_233 = arith.constant 128 : i32
      %mul3A_234 = arith.muli %add3A_232, %mul3A_233 : i32
      %dma_wait3A_235 = arith.constant 150 : i32
      %dma_wait3A_236 = arith.constant 0 : i32
      %dma_wait3A_237 = tpu.memref_slice %arg6[%dma_wait3A_235, %dma_wait3A_236] : memref<400x128xf32, #tpu.memory_space<vmem>> -> memref<50x128xf32, #tpu.memory_space<vmem>>
      %dma_wait3A_238 = tpu.memref_slice %arg5[%mul3A_234] : memref<16384xi32, #tpu.memory_space<vmem>> -> memref<50xi32, #tpu.memory_space<vmem>>
      %dma_wait3A_239 = arith.constant 0 : i32
      %dma_wait3A_240 = arith.constant 0 : i32
      %dma_wait3A_241 = tpu.memref_slice %arg3[%dma_wait3A_239, %dma_wait3A_240] : memref<100000x128xf32, #tpu.memory_space<hbm>> -> memref<100000x128xf32, #tpu.memory_space<hbm>>
      tpu.wait_indirect_dma semaphore(%arg10 : memref<!tpu.dma_semaphore, #tpu.memory_space<semaphore_mem>>) src(%dma_wait3A_241 : memref<100000x128xf32, #tpu.memory_space<hbm>>) dst(%dma_wait3A_237 : memref<50x128xf32, #tpu.memory_space<vmem>>)
      %mul3A_242 = arith.constant 8 : i32
      %mul3A_243 = arith.muli %add3A_83, %mul3A_242 : i32
      %add3A_244 = arith.constant 4 : i32
      %add3A_245 = arith.addi %mul3A_243, %add3A_244 : i32
      %mul3A_246 = arith.constant 128 : i32
      %mul3A_247 = arith.muli %add3A_245, %mul3A_246 : i32
      %dma_wait3A_248 = arith.constant 200 : i32
      %dma_wait3A_249 = arith.constant 0 : i32
      %dma_wait3A_250 = tpu.memref_slice %arg6[%dma_wait3A_248, %dma_wait3A_249] : memref<400x128xf32, #tpu.memory_space<vmem>> -> memref<50x128xf32, #tpu.memory_space<vmem>>
      %dma_wait3A_251 = tpu.memref_slice %arg5[%mul3A_247] : memref<16384xi32, #tpu.memory_space<vmem>> -> memref<50xi32, #tpu.memory_space<vmem>>
      %dma_wait3A_252 = arith.constant 0 : i32
      %dma_wait3A_253 = arith.constant 0 : i32
      %dma_wait3A_254 = tpu.memref_slice %arg3[%dma_wait3A_252, %dma_wait3A_253] : memref<100000x128xf32, #tpu.memory_space<hbm>> -> memref<100000x128xf32, #tpu.memory_space<hbm>>
      tpu.wait_indirect_dma semaphore(%arg10 : memref<!tpu.dma_semaphore, #tpu.memory_space<semaphore_mem>>) src(%dma_wait3A_254 : memref<100000x128xf32, #tpu.memory_space<hbm>>) dst(%dma_wait3A_250 : memref<50x128xf32, #tpu.memory_space<vmem>>)
      %mul3A_255 = arith.constant 8 : i32
      %mul3A_256 = arith.muli %add3A_83, %mul3A_255 : i32
      %add3A_257 = arith.constant 5 : i32
      %add3A_258 = arith.addi %mul3A_256, %add3A_257 : i32
      %mul3A_259 = arith.constant 128 : i32
      %mul3A_260 = arith.muli %add3A_258, %mul3A_259 : i32
      %dma_wait3A_261 = arith.constant 250 : i32
      %dma_wait3A_262 = arith.constant 0 : i32
      %dma_wait3A_263 = tpu.memref_slice %arg6[%dma_wait3A_261, %dma_wait3A_262] : memref<400x128xf32, #tpu.memory_space<vmem>> -> memref<50x128xf32, #tpu.memory_space<vmem>>
      %dma_wait3A_264 = tpu.memref_slice %arg5[%mul3A_260] : memref<16384xi32, #tpu.memory_space<vmem>> -> memref<50xi32, #tpu.memory_space<vmem>>
      %dma_wait3A_265 = arith.constant 0 : i32
      %dma_wait3A_266 = arith.constant 0 : i32
      %dma_wait3A_267 = tpu.memref_slice %arg3[%dma_wait3A_265, %dma_wait3A_266] : memref<100000x128xf32, #tpu.memory_space<hbm>> -> memref<100000x128xf32, #tpu.memory_space<hbm>>
      tpu.wait_indirect_dma semaphore(%arg10 : memref<!tpu.dma_semaphore, #tpu.memory_space<semaphore_mem>>) src(%dma_wait3A_267 : memref<100000x128xf32, #tpu.memory_space<hbm>>) dst(%dma_wait3A_263 : memref<50x128xf32, #tpu.memory_space<vmem>>)
      %mul3A_268 = arith.constant 8 : i32
      %mul3A_269 = arith.muli %add3A_83, %mul3A_268 : i32
      %add3A_270 = arith.constant 6 : i32
      %add3A_271 = arith.addi %mul3A_269, %add3A_270 : i32
      %mul3A_272 = arith.constant 128 : i32
      %mul3A_273 = arith.muli %add3A_271, %mul3A_272 : i32
      %dma_wait3A_274 = arith.constant 300 : i32
      %dma_wait3A_275 = arith.constant 0 : i32
      %dma_wait3A_276 = tpu.memref_slice %arg6[%dma_wait3A_274, %dma_wait3A_275] : memref<400x128xf32, #tpu.memory_space<vmem>> -> memref<50x128xf32, #tpu.memory_space<vmem>>
      %dma_wait3A_277 = tpu.memref_slice %arg5[%mul3A_273] : memref<16384xi32, #tpu.memory_space<vmem>> -> memref<50xi32, #tpu.memory_space<vmem>>
      %dma_wait3A_278 = arith.constant 0 : i32
      %dma_wait3A_279 = arith.constant 0 : i32
      %dma_wait3A_280 = tpu.memref_slice %arg3[%dma_wait3A_278, %dma_wait3A_279] : memref<100000x128xf32, #tpu.memory_space<hbm>> -> memref<100000x128xf32, #tpu.memory_space<hbm>>
      tpu.wait_indirect_dma semaphore(%arg10 : memref<!tpu.dma_semaphore, #tpu.memory_space<semaphore_mem>>) src(%dma_wait3A_280 : memref<100000x128xf32, #tpu.memory_space<hbm>>) dst(%dma_wait3A_276 : memref<50x128xf32, #tpu.memory_space<vmem>>)
      %mul3A_281 = arith.constant 8 : i32
      %mul3A_282 = arith.muli %add3A_83, %mul3A_281 : i32
      %add3A_283 = arith.constant 7 : i32
      %add3A_284 = arith.addi %mul3A_282, %add3A_283 : i32
      %mul3A_285 = arith.constant 128 : i32
      %mul3A_286 = arith.muli %add3A_284, %mul3A_285 : i32
      %dma_wait3A_287 = arith.constant 350 : i32
      %dma_wait3A_288 = arith.constant 0 : i32
      %dma_wait3A_289 = tpu.memref_slice %arg6[%dma_wait3A_287, %dma_wait3A_288] : memref<400x128xf32, #tpu.memory_space<vmem>> -> memref<50x128xf32, #tpu.memory_space<vmem>>
      %dma_wait3A_290 = tpu.memref_slice %arg5[%mul3A_286] : memref<16384xi32, #tpu.memory_space<vmem>> -> memref<50xi32, #tpu.memory_space<vmem>>
      %dma_wait3A_291 = arith.constant 0 : i32
      %dma_wait3A_292 = arith.constant 0 : i32
      %dma_wait3A_293 = tpu.memref_slice %arg3[%dma_wait3A_291, %dma_wait3A_292] : memref<100000x128xf32, #tpu.memory_space<hbm>> -> memref<100000x128xf32, #tpu.memory_space<hbm>>
      tpu.wait_indirect_dma semaphore(%arg10 : memref<!tpu.dma_semaphore, #tpu.memory_space<semaphore_mem>>) src(%dma_wait3A_293 : memref<100000x128xf32, #tpu.memory_space<hbm>>) dst(%dma_wait3A_289 : memref<50x128xf32, #tpu.memory_space<vmem>>)
      %mul3A_294 = arith.constant 8 : i32
      %mul3A_295 = arith.muli %add3A_83, %mul3A_294 : i32
      %add3A_296 = arith.addi %mul3A_2, %mul3A_295 : i32
      %ge3A = arith.constant 2 : i32
      %ge3A_297 = arith.cmpi sge, %add3A_83, %ge3A : i32
      %convert_element_type3A = arith.extui %ge3A_297 : i1 to i32
      %cond3A = arith.constant 0 : i32
      %cond3A_298 = arith.cmpi ne, %convert_element_type3A, %cond3A : i32
      scf.if %cond3A_298 {
        %dma_wait3A_439 = arith.constant 0 : i32
        %dma_wait3A_440 = tpu.memref_slice %arg4[%add3A_296, %dma_wait3A_439] : memref<4096x128xf32, #tpu.memory_space<hbm>> -> memref<8x128xf32, #tpu.memory_space<hbm>>
        %dma_wait3A_441 = arith.constant 0 : i32
        %dma_wait3A_442 = tpu.memref_slice %arg4[%add3A_296, %dma_wait3A_441] : memref<4096x128xf32, #tpu.memory_space<hbm>> -> memref<8x128xf32, #tpu.memory_space<hbm>>
        tpu.wait_dma2 semaphore(%arg12 : memref<!tpu.dma_semaphore, #tpu.memory_space<semaphore_mem>>) src(%arg8 : memref<8x128xf32, #tpu.memory_space<vmem>>) dst(%dma_wait3A_442 : memref<8x128xf32, #tpu.memory_space<hbm>>)
      } else {
      }
      %scan3A_299 = arith.constant 0 : i32
      %scan3A_300 = arith.constant 8 : i32
      %scan3A_301 = arith.addi %scan3A_299, %scan3A_300 : i32
      %scan3A_302 = arith.constant 1 : i32
      scf.for %scan3A_439 = %scan3A_299 to %scan3A_301 step %scan3A_302  : i32 {
        %mul3A_440 = arith.constant 1 : i32
        %mul3A_441 = arith.muli %scan3A_439, %mul3A_440 : i32
        %add3A_442 = arith.constant 0 : i32
        %add3A_443 = arith.addi %add3A_442, %mul3A_441 : i32
        %broadcast_in_dim3A = arith.constant 0.000000e+00 : f32
        %broadcast_in_dim3A_444 = vector.broadcast %broadcast_in_dim3A : f32 to vector<16xf32>
        %broadcast_in_dim3A_445 = arith.constant 0.000000e+00 : f32
        %broadcast_in_dim3A_446 = vector.broadcast %broadcast_in_dim3A_445 : f32 to vector<16xf32>
        %broadcast_in_dim3A_447 = arith.constant 0.000000e+00 : f32
        %broadcast_in_dim3A_448 = vector.broadcast %broadcast_in_dim3A_447 : f32 to vector<16xf32>
        %broadcast_in_dim3A_449 = arith.constant 0.000000e+00 : f32
        %broadcast_in_dim3A_450 = vector.broadcast %broadcast_in_dim3A_449 : f32 to vector<16xf32>
        %broadcast_in_dim3A_451 = arith.constant 0.000000e+00 : f32
        %broadcast_in_dim3A_452 = vector.broadcast %broadcast_in_dim3A_451 : f32 to vector<16xf32>
        %broadcast_in_dim3A_453 = arith.constant 0.000000e+00 : f32
        %broadcast_in_dim3A_454 = vector.broadcast %broadcast_in_dim3A_453 : f32 to vector<16xf32>
        %broadcast_in_dim3A_455 = arith.constant 0.000000e+00 : f32
        %broadcast_in_dim3A_456 = vector.broadcast %broadcast_in_dim3A_455 : f32 to vector<16xf32>
        %broadcast_in_dim3A_457 = arith.constant 0.000000e+00 : f32
        %broadcast_in_dim3A_458 = vector.broadcast %broadcast_in_dim3A_457 : f32 to vector<16xf32>
        %scan3A_459 = arith.constant 0 : i32
        %scan3A_460 = arith.constant 10 : i32
        %scan3A_461 = arith.addi %scan3A_459, %scan3A_460 : i32
        %scan3A_462 = arith.constant 1 : i32
        %scan3A_463:8 = scf.for %scan3A_572 = %scan3A_459 to %scan3A_461 step %scan3A_462 iter_args(%scan3A_573 = %broadcast_in_dim3A_444, %scan3A_574 = %broadcast_in_dim3A_446, %scan3A_575 = %broadcast_in_dim3A_448, %scan3A_576 = %broadcast_in_dim3A_450, %scan3A_577 = %broadcast_in_dim3A_452, %scan3A_578 = %broadcast_in_dim3A_454, %scan3A_579 = %broadcast_in_dim3A_456, %scan3A_580 = %broadcast_in_dim3A_458) -> (vector<16xf32>, vector<16xf32>, vector<16xf32>, vector<16xf32>, vector<16xf32>, vector<16xf32>, vector<16xf32>, vector<16xf32>)  : i32 {
          %mul3A_581 = arith.constant 50 : i32
          %mul3A_582 = arith.muli %add3A_443, %mul3A_581 : i32
          %mul3A_583 = arith.constant 5 : i32
          %mul3A_584 = arith.muli %scan3A_572, %mul3A_583 : i32
          %add3A_585 = arith.addi %mul3A_582, %mul3A_584 : i32
          %add3A_586 = arith.constant 0 : i32
          %add3A_587 = arith.addi %add3A_585, %add3A_586 : i32
          %get3A_588 = arith.index_cast %add3A_587 : i32 to index
          %get3A_589 = arith.constant 0 : index
          %get3A_590 = tpu.vector_load %arg6[%get3A_588, %get3A_589] {strides = array<i32>} : memref<400x128xf32, #tpu.memory_space<vmem>>, vector<16xf32>,
          %add3A_591 = arith.addf %scan3A_573, %get3A_590 : vector<16xf32>
          %get3A_592 = arith.index_cast %add3A_587 : i32 to index
          %get3A_593 = arith.constant 16 : index
          %get3A_594 = tpu.vector_load %arg6[%get3A_592, %get3A_593] {strides = array<i32>} : memref<400x128xf32, #tpu.memory_space<vmem>>, vector<16xf32>,
          %add3A_595 = arith.addf %scan3A_574, %get3A_594 : vector<16xf32>
          %get3A_596 = arith.index_cast %add3A_587 : i32 to index
          %get3A_597 = arith.constant 32 : index
          %get3A_598 = tpu.vector_load %arg6[%get3A_596, %get3A_597] {strides = array<i32>} : memref<400x128xf32, #tpu.memory_space<vmem>>, vector<16xf32>,
          %add3A_599 = arith.addf %scan3A_575, %get3A_598 : vector<16xf32>
          %get3A_600 = arith.index_cast %add3A_587 : i32 to index
          %get3A_601 = arith.constant 48 : index
          %get3A_602 = tpu.vector_load %arg6[%get3A_600, %get3A_601] {strides = array<i32>} : memref<400x128xf32, #tpu.memory_space<vmem>>, vector<16xf32>,
          %add3A_603 = arith.addf %scan3A_576, %get3A_602 : vector<16xf32>
          %get3A_604 = arith.index_cast %add3A_587 : i32 to index
          %get3A_605 = arith.constant 64 : index
          %get3A_606 = tpu.vector_load %arg6[%get3A_604, %get3A_605] {strides = array<i32>} : memref<400x128xf32, #tpu.memory_space<vmem>>, vector<16xf32>,
          %add3A_607 = arith.addf %scan3A_577, %get3A_606 : vector<16xf32>
          %get3A_608 = arith.index_cast %add3A_587 : i32 to index
          %get3A_609 = arith.constant 80 : index
          %get3A_610 = tpu.vector_load %arg6[%get3A_608, %get3A_609] {strides = array<i32>} : memref<400x128xf32, #tpu.memory_space<vmem>>, vector<16xf32>,
          %add3A_611 = arith.addf %scan3A_578, %get3A_610 : vector<16xf32>
          %get3A_612 = arith.index_cast %add3A_587 : i32 to index
          %get3A_613 = arith.constant 96 : index
          %get3A_614 = tpu.vector_load %arg6[%get3A_612, %get3A_613] {strides = array<i32>} : memref<400x128xf32, #tpu.memory_space<vmem>>, vector<16xf32>,
          %add3A_615 = arith.addf %scan3A_579, %get3A_614 : vector<16xf32>
          %get3A_616 = arith.index_cast %add3A_587 : i32 to index
          %get3A_617 = arith.constant 112 : index
          %get3A_618 = tpu.vector_load %arg6[%get3A_616, %get3A_617] {strides = array<i32>} : memref<400x128xf32, #tpu.memory_space<vmem>>, vector<16xf32>,
          %add3A_619 = arith.addf %scan3A_580, %get3A_618 : vector<16xf32>
          %mul3A_620 = arith.constant 50 : i32
          %mul3A_621 = arith.muli %add3A_443, %mul3A_620 : i32
          %mul3A_622 = arith.constant 5 : i32
          %mul3A_623 = arith.muli %scan3A_572, %mul3A_622 : i32
          %add3A_624 = arith.addi %mul3A_621, %mul3A_623 : i32
          %add3A_625 = arith.constant 1 : i32
          %add3A_626 = arith.addi %add3A_624, %add3A_625 : i32
          %get3A_627 = arith.index_cast %add3A_626 : i32 to index
          %get3A_628 = arith.constant 0 : index
          %get3A_629 = tpu.vector_load %arg6[%get3A_627, %get3A_628] {strides = array<i32>} : memref<400x128xf32, #tpu.memory_space<vmem>>, vector<16xf32>,
          %add3A_630 = arith.addf %add3A_591, %get3A_629 : vector<16xf32>
          %get3A_631 = arith.index_cast %add3A_626 : i32 to index
          %get3A_632 = arith.constant 16 : index
          %get3A_633 = tpu.vector_load %arg6[%get3A_631, %get3A_632] {strides = array<i32>} : memref<400x128xf32, #tpu.memory_space<vmem>>, vector<16xf32>,
          %add3A_634 = arith.addf %add3A_595, %get3A_633 : vector<16xf32>
          %get3A_635 = arith.index_cast %add3A_626 : i32 to index
          %get3A_636 = arith.constant 32 : index
          %get3A_637 = tpu.vector_load %arg6[%get3A_635, %get3A_636] {strides = array<i32>} : memref<400x128xf32, #tpu.memory_space<vmem>>, vector<16xf32>,
          %add3A_638 = arith.addf %add3A_599, %get3A_637 : vector<16xf32>
          %get3A_639 = arith.index_cast %add3A_626 : i32 to index
          %get3A_640 = arith.constant 48 : index
          %get3A_641 = tpu.vector_load %arg6[%get3A_639, %get3A_640] {strides = array<i32>} : memref<400x128xf32, #tpu.memory_space<vmem>>, vector<16xf32>,
          %add3A_642 = arith.addf %add3A_603, %get3A_641 : vector<16xf32>
          %get3A_643 = arith.index_cast %add3A_626 : i32 to index
          %get3A_644 = arith.constant 64 : index
          %get3A_645 = tpu.vector_load %arg6[%get3A_643, %get3A_644] {strides = array<i32>} : memref<400x128xf32, #tpu.memory_space<vmem>>, vector<16xf32>,
          %add3A_646 = arith.addf %add3A_607, %get3A_645 : vector<16xf32>
          %get3A_647 = arith.index_cast %add3A_626 : i32 to index
          %get3A_648 = arith.constant 80 : index
          %get3A_649 = tpu.vector_load %arg6[%get3A_647, %get3A_648] {strides = array<i32>} : memref<400x128xf32, #tpu.memory_space<vmem>>, vector<16xf32>,
          %add3A_650 = arith.addf %add3A_611, %get3A_649 : vector<16xf32>
          %get3A_651 = arith.index_cast %add3A_626 : i32 to index
          %get3A_652 = arith.constant 96 : index
          %get3A_653 = tpu.vector_load %arg6[%get3A_651, %get3A_652] {strides = array<i32>} : memref<400x128xf32, #tpu.memory_space<vmem>>, vector<16xf32>,
          %add3A_654 = arith.addf %add3A_615, %get3A_653 : vector<16xf32>
          %get3A_655 = arith.index_cast %add3A_626 : i32 to index
          %get3A_656 = arith.constant 112 : index
          %get3A_657 = tpu.vector_load %arg6[%get3A_655, %get3A_656] {strides = array<i32>} : memref<400x128xf32, #tpu.memory_space<vmem>>, vector<16xf32>,
          %add3A_658 = arith.addf %add3A_619, %get3A_657 : vector<16xf32>
          %mul3A_659 = arith.constant 50 : i32
          %mul3A_660 = arith.muli %add3A_443, %mul3A_659 : i32
          %mul3A_661 = arith.constant 5 : i32
          %mul3A_662 = arith.muli %scan3A_572, %mul3A_661 : i32
          %add3A_663 = arith.addi %mul3A_660, %mul3A_662 : i32
          %add3A_664 = arith.constant 2 : i32
          %add3A_665 = arith.addi %add3A_663, %add3A_664 : i32
          %get3A_666 = arith.index_cast %add3A_665 : i32 to index
          %get3A_667 = arith.constant 0 : index
          %get3A_668 = tpu.vector_load %arg6[%get3A_666, %get3A_667] {strides = array<i32>} : memref<400x128xf32, #tpu.memory_space<vmem>>, vector<16xf32>,
          %add3A_669 = arith.addf %add3A_630, %get3A_668 : vector<16xf32>
          %get3A_670 = arith.index_cast %add3A_665 : i32 to index
          %get3A_671 = arith.constant 16 : index
          %get3A_672 = tpu.vector_load %arg6[%get3A_670, %get3A_671] {strides = array<i32>} : memref<400x128xf32, #tpu.memory_space<vmem>>, vector<16xf32>,
          %add3A_673 = arith.addf %add3A_634, %get3A_672 : vector<16xf32>
          %get3A_674 = arith.index_cast %add3A_665 : i32 to index
          %get3A_675 = arith.constant 32 : index
          %get3A_676 = tpu.vector_load %arg6[%get3A_674, %get3A_675] {strides = array<i32>} : memref<400x128xf32, #tpu.memory_space<vmem>>, vector<16xf32>,
          %add3A_677 = arith.addf %add3A_638, %get3A_676 : vector<16xf32>
          %get3A_678 = arith.index_cast %add3A_665 : i32 to index
          %get3A_679 = arith.constant 48 : index
          %get3A_680 = tpu.vector_load %arg6[%get3A_678, %get3A_679] {strides = array<i32>} : memref<400x128xf32, #tpu.memory_space<vmem>>, vector<16xf32>,
          %add3A_681 = arith.addf %add3A_642, %get3A_680 : vector<16xf32>
          %get3A_682 = arith.index_cast %add3A_665 : i32 to index
          %get3A_683 = arith.constant 64 : index
          %get3A_684 = tpu.vector_load %arg6[%get3A_682, %get3A_683] {strides = array<i32>} : memref<400x128xf32, #tpu.memory_space<vmem>>, vector<16xf32>,
          %add3A_685 = arith.addf %add3A_646, %get3A_684 : vector<16xf32>
          %get3A_686 = arith.index_cast %add3A_665 : i32 to index
          %get3A_687 = arith.constant 80 : index
          %get3A_688 = tpu.vector_load %arg6[%get3A_686, %get3A_687] {strides = array<i32>} : memref<400x128xf32, #tpu.memory_space<vmem>>, vector<16xf32>,
          %add3A_689 = arith.addf %add3A_650, %get3A_688 : vector<16xf32>
          %get3A_690 = arith.index_cast %add3A_665 : i32 to index
          %get3A_691 = arith.constant 96 : index
          %get3A_692 = tpu.vector_load %arg6[%get3A_690, %get3A_691] {strides = array<i32>} : memref<400x128xf32, #tpu.memory_space<vmem>>, vector<16xf32>,
          %add3A_693 = arith.addf %add3A_654, %get3A_692 : vector<16xf32>
          %get3A_694 = arith.index_cast %add3A_665 : i32 to index
          %get3A_695 = arith.constant 112 : index
          %get3A_696 = tpu.vector_load %arg6[%get3A_694, %get3A_695] {strides = array<i32>} : memref<400x128xf32, #tpu.memory_space<vmem>>, vector<16xf32>,
          %add3A_697 = arith.addf %add3A_658, %get3A_696 : vector<16xf32>
          %mul3A_698 = arith.constant 50 : i32
          %mul3A_699 = arith.muli %add3A_443, %mul3A_698 : i32
          %mul3A_700 = arith.constant 5 : i32
          %mul3A_701 = arith.muli %scan3A_572, %mul3A_700 : i32
          %add3A_702 = arith.addi %mul3A_699, %mul3A_701 : i32
          %add3A_703 = arith.constant 3 : i32
          %add3A_704 = arith.addi %add3A_702, %add3A_703 : i32
          %get3A_705 = arith.index_cast %add3A_704 : i32 to index
          %get3A_706 = arith.constant 0 : index
          %get3A_707 = tpu.vector_load %arg6[%get3A_705, %get3A_706] {strides = array<i32>} : memref<400x128xf32, #tpu.memory_space<vmem>>, vector<16xf32>,
          %add3A_708 = arith.addf %add3A_669, %get3A_707 : vector<16xf32>
          %get3A_709 = arith.index_cast %add3A_704 : i32 to index
          %get3A_710 = arith.constant 16 : index
          %get3A_711 = tpu.vector_load %arg6[%get3A_709, %get3A_710] {strides = array<i32>} : memref<400x128xf32, #tpu.memory_space<vmem>>, vector<16xf32>,
          %add3A_712 = arith.addf %add3A_673, %get3A_711 : vector<16xf32>
          %get3A_713 = arith.index_cast %add3A_704 : i32 to index
          %get3A_714 = arith.constant 32 : index
          %get3A_715 = tpu.vector_load %arg6[%get3A_713, %get3A_714] {strides = array<i32>} : memref<400x128xf32, #tpu.memory_space<vmem>>, vector<16xf32>,
          %add3A_716 = arith.addf %add3A_677, %get3A_715 : vector<16xf32>
          %get3A_717 = arith.index_cast %add3A_704 : i32 to index
          %get3A_718 = arith.constant 48 : index
          %get3A_719 = tpu.vector_load %arg6[%get3A_717, %get3A_718] {strides = array<i32>} : memref<400x128xf32, #tpu.memory_space<vmem>>, vector<16xf32>,
          %add3A_720 = arith.addf %add3A_681, %get3A_719 : vector<16xf32>
          %get3A_721 = arith.index_cast %add3A_704 : i32 to index
          %get3A_722 = arith.constant 64 : index
          %get3A_723 = tpu.vector_load %arg6[%get3A_721, %get3A_722] {strides = array<i32>} : memref<400x128xf32, #tpu.memory_space<vmem>>, vector<16xf32>,
          %add3A_724 = arith.addf %add3A_685, %get3A_723 : vector<16xf32>
          %get3A_725 = arith.index_cast %add3A_704 : i32 to index
          %get3A_726 = arith.constant 80 : index
          %get3A_727 = tpu.vector_load %arg6[%get3A_725, %get3A_726] {strides = array<i32>} : memref<400x128xf32, #tpu.memory_space<vmem>>, vector<16xf32>,
          %add3A_728 = arith.addf %add3A_689, %get3A_727 : vector<16xf32>
          %get3A_729 = arith.index_cast %add3A_704 : i32 to index
          %get3A_730 = arith.constant 96 : index
          %get3A_731 = tpu.vector_load %arg6[%get3A_729, %get3A_730] {strides = array<i32>} : memref<400x128xf32, #tpu.memory_space<vmem>>, vector<16xf32>,
          %add3A_732 = arith.addf %add3A_693, %get3A_731 : vector<16xf32>
          %get3A_733 = arith.index_cast %add3A_704 : i32 to index
          %get3A_734 = arith.constant 112 : index
          %get3A_735 = tpu.vector_load %arg6[%get3A_733, %get3A_734] {strides = array<i32>} : memref<400x128xf32, #tpu.memory_space<vmem>>, vector<16xf32>,
          %add3A_736 = arith.addf %add3A_697, %get3A_735 : vector<16xf32>
          %mul3A_737 = arith.constant 50 : i32
          %mul3A_738 = arith.muli %add3A_443, %mul3A_737 : i32
          %mul3A_739 = arith.constant 5 : i32
          %mul3A_740 = arith.muli %scan3A_572, %mul3A_739 : i32
          %add3A_741 = arith.addi %mul3A_738, %mul3A_740 : i32
          %add3A_742 = arith.constant 4 : i32
          %add3A_743 = arith.addi %add3A_741, %add3A_742 : i32
          %get3A_744 = arith.index_cast %add3A_743 : i32 to index
          %get3A_745 = arith.constant 0 : index
          %get3A_746 = tpu.vector_load %arg6[%get3A_744, %get3A_745] {strides = array<i32>} : memref<400x128xf32, #tpu.memory_space<vmem>>, vector<16xf32>,
          %add3A_747 = arith.addf %add3A_708, %get3A_746 : vector<16xf32>
          %get3A_748 = arith.index_cast %add3A_743 : i32 to index
          %get3A_749 = arith.constant 16 : index
          %get3A_750 = tpu.vector_load %arg6[%get3A_748, %get3A_749] {strides = array<i32>} : memref<400x128xf32, #tpu.memory_space<vmem>>, vector<16xf32>,
          %add3A_751 = arith.addf %add3A_712, %get3A_750 : vector<16xf32>
          %get3A_752 = arith.index_cast %add3A_743 : i32 to index
          %get3A_753 = arith.constant 32 : index
          %get3A_754 = tpu.vector_load %arg6[%get3A_752, %get3A_753] {strides = array<i32>} : memref<400x128xf32, #tpu.memory_space<vmem>>, vector<16xf32>,
          %add3A_755 = arith.addf %add3A_716, %get3A_754 : vector<16xf32>
          %get3A_756 = arith.index_cast %add3A_743 : i32 to index
          %get3A_757 = arith.constant 48 : index
          %get3A_758 = tpu.vector_load %arg6[%get3A_756, %get3A_757] {strides = array<i32>} : memref<400x128xf32, #tpu.memory_space<vmem>>, vector<16xf32>,
          %add3A_759 = arith.addf %add3A_720, %get3A_758 : vector<16xf32>
          %get3A_760 = arith.index_cast %add3A_743 : i32 to index
          %get3A_761 = arith.constant 64 : index
          %get3A_762 = tpu.vector_load %arg6[%get3A_760, %get3A_761] {strides = array<i32>} : memref<400x128xf32, #tpu.memory_space<vmem>>, vector<16xf32>,
          %add3A_763 = arith.addf %add3A_724, %get3A_762 : vector<16xf32>
          %get3A_764 = arith.index_cast %add3A_743 : i32 to index
          %get3A_765 = arith.constant 80 : index
          %get3A_766 = tpu.vector_load %arg6[%get3A_764, %get3A_765] {strides = array<i32>} : memref<400x128xf32, #tpu.memory_space<vmem>>, vector<16xf32>,
          %add3A_767 = arith.addf %add3A_728, %get3A_766 : vector<16xf32>
          %get3A_768 = arith.index_cast %add3A_743 : i32 to index
          %get3A_769 = arith.constant 96 : index
          %get3A_770 = tpu.vector_load %arg6[%get3A_768, %get3A_769] {strides = array<i32>} : memref<400x128xf32, #tpu.memory_space<vmem>>, vector<16xf32>,
          %add3A_771 = arith.addf %add3A_732, %get3A_770 : vector<16xf32>
          %get3A_772 = arith.index_cast %add3A_743 : i32 to index
          %get3A_773 = arith.constant 112 : index
          %get3A_774 = tpu.vector_load %arg6[%get3A_772, %get3A_773] {strides = array<i32>} : memref<400x128xf32, #tpu.memory_space<vmem>>, vector<16xf32>,
          %add3A_775 = arith.addf %add3A_736, %get3A_774 : vector<16xf32>
          scf.yield %add3A_747, %add3A_751, %add3A_755, %add3A_759, %add3A_763, %add3A_767, %add3A_771, %add3A_775 : vector<16xf32>, vector<16xf32>, vector<16xf32>, vector<16xf32>, vector<16xf32>, vector<16xf32>, vector<16xf32>, vector<16xf32>
        }
        %scan3A_464 = arith.constant 10 : i32
        %mul3A_465 = arith.constant 8 : i32
        %mul3A_466 = arith.muli %add3A_83, %mul3A_465 : i32
        %add3A_467 = arith.addi %mul3A_466, %add3A_443 : i32
        %mul3A_468 = arith.constant 128 : i32
        %mul3A_469 = arith.muli %add3A_467, %mul3A_468 : i32
        %get3A = arith.index_cast %mul3A_469 : i32 to index
        %get3A_470 = tpu.vector_load %arg5[%get3A] {strides = array<i32>} : memref<16384xi32, #tpu.memory_space<vmem>>, vector<16xi32>,
        %ne3A = arith.constant 0 : i32
        %ne3A_471 = vector.broadcast %ne3A : i32 to vector<16xi32>
        %ne3A_472 = arith.cmpi ne, %get3A_470, %ne3A_471 : vector<16xi32>
        %all_reduce_population_count3A = tpu.all_reduce %ne3A_472 {dim = 0 : i64, kind = #tpu.reduction_kind<sum>} : vector<16xi1> -> vector<16xi32>
        %add3A_473 = arith.constant 16 : i32
        %add3A_474 = arith.addi %mul3A_469, %add3A_473 : i32
        %get3A_475 = arith.index_cast %add3A_474 : i32 to index
        %get3A_476 = tpu.vector_load %arg5[%get3A_475] {strides = array<i32>} : memref<16384xi32, #tpu.memory_space<vmem>>, vector<16xi32>,
        %ne3A_477 = arith.constant 0 : i32
        %ne3A_478 = vector.broadcast %ne3A_477 : i32 to vector<16xi32>
        %ne3A_479 = arith.cmpi ne, %get3A_476, %ne3A_478 : vector<16xi32>
        %all_reduce_population_count3A_480 = tpu.all_reduce %ne3A_479 {dim = 0 : i64, kind = #tpu.reduction_kind<sum>} : vector<16xi1> -> vector<16xi32>
        %add3A_481 = arith.addi %all_reduce_population_count3A, %all_reduce_population_count3A_480 : vector<16xi32>
        %add3A_482 = arith.constant 32 : i32
        %add3A_483 = arith.addi %mul3A_469, %add3A_482 : i32
        %get3A_484 = arith.index_cast %add3A_483 : i32 to index
        %get3A_485 = tpu.vector_load %arg5[%get3A_484] {strides = array<i32>} : memref<16384xi32, #tpu.memory_space<vmem>>, vector<16xi32>,
        %ne3A_486 = arith.constant 0 : i32
        %ne3A_487 = vector.broadcast %ne3A_486 : i32 to vector<16xi32>
        %ne3A_488 = arith.cmpi ne, %get3A_485, %ne3A_487 : vector<16xi32>
        %all_reduce_population_count3A_489 = tpu.all_reduce %ne3A_488 {dim = 0 : i64, kind = #tpu.reduction_kind<sum>} : vector<16xi1> -> vector<16xi32>
        %add3A_490 = arith.addi %add3A_481, %all_reduce_population_count3A_489 : vector<16xi32>
        %add3A_491 = arith.constant 48 : i32
        %add3A_492 = arith.addi %mul3A_469, %add3A_491 : i32
        %get3A_493 = arith.index_cast %add3A_492 : i32 to index
        %get3A_494 = tpu.vector_load %arg5[%get3A_493] {strides = array<i32>} : memref<16384xi32, #tpu.memory_space<vmem>>, vector<16xi32>,
        %ne3A_495 = arith.constant 0 : i32
        %ne3A_496 = vector.broadcast %ne3A_495 : i32 to vector<16xi32>
        %ne3A_497 = arith.cmpi ne, %get3A_494, %ne3A_496 : vector<16xi32>
        %all_reduce_population_count3A_498 = tpu.all_reduce %ne3A_497 {dim = 0 : i64, kind = #tpu.reduction_kind<sum>} : vector<16xi1> -> vector<16xi32>
        %add3A_499 = arith.addi %add3A_490, %all_reduce_population_count3A_498 : vector<16xi32>
        %add3A_500 = arith.constant 64 : i32
        %add3A_501 = arith.addi %mul3A_469, %add3A_500 : i32
        %get3A_502 = arith.index_cast %add3A_501 : i32 to index
        %get3A_503 = tpu.vector_load %arg5[%get3A_502] {strides = array<i32>} : memref<16384xi32, #tpu.memory_space<vmem>>, vector<16xi32>,
        %ne3A_504 = arith.constant 0 : i32
        %ne3A_505 = vector.broadcast %ne3A_504 : i32 to vector<16xi32>
        %ne3A_506 = arith.cmpi ne, %get3A_503, %ne3A_505 : vector<16xi32>
        %all_reduce_population_count3A_507 = tpu.all_reduce %ne3A_506 {dim = 0 : i64, kind = #tpu.reduction_kind<sum>} : vector<16xi1> -> vector<16xi32>
        %add3A_508 = arith.addi %add3A_499, %all_reduce_population_count3A_507 : vector<16xi32>
        %add3A_509 = arith.constant 80 : i32
        %add3A_510 = arith.addi %mul3A_469, %add3A_509 : i32
        %get3A_511 = arith.index_cast %add3A_510 : i32 to index
        %get3A_512 = tpu.vector_load %arg5[%get3A_511] {strides = array<i32>} : memref<16384xi32, #tpu.memory_space<vmem>>, vector<16xi32>,
        %ne3A_513 = arith.constant 0 : i32
        %ne3A_514 = vector.broadcast %ne3A_513 : i32 to vector<16xi32>
        %ne3A_515 = arith.cmpi ne, %get3A_512, %ne3A_514 : vector<16xi32>
        %all_reduce_population_count3A_516 = tpu.all_reduce %ne3A_515 {dim = 0 : i64, kind = #tpu.reduction_kind<sum>} : vector<16xi1> -> vector<16xi32>
        %add3A_517 = arith.addi %add3A_508, %all_reduce_population_count3A_516 : vector<16xi32>
        %add3A_518 = arith.constant 96 : i32
        %add3A_519 = arith.addi %mul3A_469, %add3A_518 : i32
        %get3A_520 = arith.index_cast %add3A_519 : i32 to index
        %get3A_521 = tpu.vector_load %arg5[%get3A_520] {strides = array<i32>} : memref<16384xi32, #tpu.memory_space<vmem>>, vector<16xi32>,
        %ne3A_522 = arith.constant 0 : i32
        %ne3A_523 = vector.broadcast %ne3A_522 : i32 to vector<16xi32>
        %ne3A_524 = arith.cmpi ne, %get3A_521, %ne3A_523 : vector<16xi32>
        %all_reduce_population_count3A_525 = tpu.all_reduce %ne3A_524 {dim = 0 : i64, kind = #tpu.reduction_kind<sum>} : vector<16xi1> -> vector<16xi32>
        %add3A_526 = arith.addi %add3A_517, %all_reduce_population_count3A_525 : vector<16xi32>
        %add3A_527 = arith.constant 112 : i32
        %add3A_528 = arith.addi %mul3A_469, %add3A_527 : i32
        %get3A_529 = arith.index_cast %add3A_528 : i32 to index
        %get3A_530 = tpu.vector_load %arg5[%get3A_529] {strides = array<i32>} : memref<16384xi32, #tpu.memory_space<vmem>>, vector<16xi32>,
        %ne3A_531 = arith.constant 0 : i32
        %ne3A_532 = vector.broadcast %ne3A_531 : i32 to vector<16xi32>
        %ne3A_533 = arith.cmpi ne, %get3A_530, %ne3A_532 : vector<16xi32>
        %all_reduce_population_count3A_534 = tpu.all_reduce %ne3A_533 {dim = 0 : i64, kind = #tpu.reduction_kind<sum>} : vector<16xi1> -> vector<16xi32>
        %add3A_535 = arith.addi %add3A_526, %all_reduce_population_count3A_534 : vector<16xi32>
        %convert_element_type3A_536 = arith.sitofp %add3A_535 : vector<16xi32> to vector<16xf32>
        %max3A = arith.constant 1.000000e+00 : f32
        %max3A_537 = vector.broadcast %max3A : f32 to vector<16xf32>
        %max3A_538 = arith.maximumf %convert_element_type3A_536, %max3A_537 : vector<16xf32>
        %div3A = arith.constant 1.000000e+00 : f32
        %div3A_539 = vector.broadcast %div3A : f32 to vector<16xf32>
        %div3A_540 = arith.divf %div3A_539, %max3A_538 : vector<16xf32>
        %mul3A_541 = arith.mulf %scan3A_463#0, %div3A_540 : vector<16xf32>
        %swap3A = arith.index_cast %add3A_443 : i32 to index
        %swap3A_542 = arith.constant 0 : index
        %swap3A_543 = tpu.vector_load %arg8[%swap3A, %swap3A_542] {strides = array<i32>} : memref<8x128xf32, #tpu.memory_space<vmem>>, vector<16xf32>,
        tpu.vector_store %arg8[%swap3A, %swap3A_542], %mul3A_541 {strides = array<i32>} : memref<8x128xf32, #tpu.memory_space<vmem>>, vector<16xf32>,
        %mul3A_544 = arith.mulf %scan3A_463#1, %div3A_540 : vector<16xf32>
        %swap3A_545 = arith.index_cast %add3A_443 : i32 to index
        %swap3A_546 = arith.constant 16 : index
        %swap3A_547 = tpu.vector_load %arg8[%swap3A_545, %swap3A_546] {strides = array<i32>} : memref<8x128xf32, #tpu.memory_space<vmem>>, vector<16xf32>,
        tpu.vector_store %arg8[%swap3A_545, %swap3A_546], %mul3A_544 {strides = array<i32>} : memref<8x128xf32, #tpu.memory_space<vmem>>, vector<16xf32>,
        %mul3A_548 = arith.mulf %scan3A_463#2, %div3A_540 : vector<16xf32>
        %swap3A_549 = arith.index_cast %add3A_443 : i32 to index
        %swap3A_550 = arith.constant 32 : index
        %swap3A_551 = tpu.vector_load %arg8[%swap3A_549, %swap3A_550] {strides = array<i32>} : memref<8x128xf32, #tpu.memory_space<vmem>>, vector<16xf32>,
        tpu.vector_store %arg8[%swap3A_549, %swap3A_550], %mul3A_548 {strides = array<i32>} : memref<8x128xf32, #tpu.memory_space<vmem>>, vector<16xf32>,
        %mul3A_552 = arith.mulf %scan3A_463#3, %div3A_540 : vector<16xf32>
        %swap3A_553 = arith.index_cast %add3A_443 : i32 to index
        %swap3A_554 = arith.constant 48 : index
        %swap3A_555 = tpu.vector_load %arg8[%swap3A_553, %swap3A_554] {strides = array<i32>} : memref<8x128xf32, #tpu.memory_space<vmem>>, vector<16xf32>,
        tpu.vector_store %arg8[%swap3A_553, %swap3A_554], %mul3A_552 {strides = array<i32>} : memref<8x128xf32, #tpu.memory_space<vmem>>, vector<16xf32>,
        %mul3A_556 = arith.mulf %scan3A_463#4, %div3A_540 : vector<16xf32>
        %swap3A_557 = arith.index_cast %add3A_443 : i32 to index
        %swap3A_558 = arith.constant 64 : index
        %swap3A_559 = tpu.vector_load %arg8[%swap3A_557, %swap3A_558] {strides = array<i32>} : memref<8x128xf32, #tpu.memory_space<vmem>>, vector<16xf32>,
        tpu.vector_store %arg8[%swap3A_557, %swap3A_558], %mul3A_556 {strides = array<i32>} : memref<8x128xf32, #tpu.memory_space<vmem>>, vector<16xf32>,
        %mul3A_560 = arith.mulf %scan3A_463#5, %div3A_540 : vector<16xf32>
        %swap3A_561 = arith.index_cast %add3A_443 : i32 to index
        %swap3A_562 = arith.constant 80 : index
        %swap3A_563 = tpu.vector_load %arg8[%swap3A_561, %swap3A_562] {strides = array<i32>} : memref<8x128xf32, #tpu.memory_space<vmem>>, vector<16xf32>,
        tpu.vector_store %arg8[%swap3A_561, %swap3A_562], %mul3A_560 {strides = array<i32>} : memref<8x128xf32, #tpu.memory_space<vmem>>, vector<16xf32>,
        %mul3A_564 = arith.mulf %scan3A_463#6, %div3A_540 : vector<16xf32>
        %swap3A_565 = arith.index_cast %add3A_443 : i32 to index
        %swap3A_566 = arith.constant 96 : index
        %swap3A_567 = tpu.vector_load %arg8[%swap3A_565, %swap3A_566] {strides = array<i32>} : memref<8x128xf32, #tpu.memory_space<vmem>>, vector<16xf32>,
        tpu.vector_store %arg8[%swap3A_565, %swap3A_566], %mul3A_564 {strides = array<i32>} : memref<8x128xf32, #tpu.memory_space<vmem>>, vector<16xf32>,
        %mul3A_568 = arith.mulf %scan3A_463#7, %div3A_540 : vector<16xf32>
        %swap3A_569 = arith.index_cast %add3A_443 : i32 to index
        %swap3A_570 = arith.constant 112 : index
        %swap3A_571 = tpu.vector_load %arg8[%swap3A_569, %swap3A_570] {strides = array<i32>} : memref<8x128xf32, #tpu.memory_space<vmem>>, vector<16xf32>,
        tpu.vector_store %arg8[%swap3A_569, %swap3A_570], %mul3A_568 {strides = array<i32>} : memref<8x128xf32, #tpu.memory_space<vmem>>, vector<16xf32>,
      }
      %scan3A_303 = arith.constant 8 : i32
      %dma_start3A_304 = arith.constant 0 : i32
      %dma_start3A_305 = tpu.memref_slice %arg4[%add3A_296, %dma_start3A_304] : memref<4096x128xf32, #tpu.memory_space<hbm>> -> memref<8x128xf32, #tpu.memory_space<hbm>>
      %dma_start3A_306 = arith.constant 0 : i32
      %dma_start3A_307 = tpu.memref_slice %arg4[%add3A_296, %dma_start3A_306] : memref<4096x128xf32, #tpu.memory_space<hbm>> -> memref<8x128xf32, #tpu.memory_space<hbm>>
      tpu.enqueue_dma source(%arg8 : memref<8x128xf32, #tpu.memory_space<vmem>>) target(%dma_start3A_307 : memref<8x128xf32, #tpu.memory_space<hbm>>) target_semaphore(%arg12 : memref<!tpu.dma_semaphore, #tpu.memory_space<semaphore_mem>>)
      %add3A_308 = arith.constant 2 : i32
      %add3A_309 = arith.addi %add3A_83, %add3A_308 : i32
      %lt3A = arith.constant 16 : i32
      %lt3A_310 = arith.cmpi slt, %add3A_309, %lt3A : i32
      %convert_element_type3A_311 = arith.extui %lt3A_310 : i1 to i32
      %cond3A_312 = arith.constant 0 : i32
      %cond3A_313 = arith.cmpi ne, %convert_element_type3A_311, %cond3A_312 : i32
      scf.if %cond3A_313 {
        %add3A_439 = arith.constant 2 : i32
        %add3A_440 = arith.addi %add3A_83, %add3A_439 : i32
        %mul3A_441 = arith.constant 8 : i32
        %mul3A_442 = arith.muli %add3A_440, %mul3A_441 : i32
        %add3A_443 = arith.constant 0 : i32
        %add3A_444 = arith.addi %mul3A_442, %add3A_443 : i32
        %mul3A_445 = arith.constant 128 : i32
        %mul3A_446 = arith.muli %add3A_444, %mul3A_445 : i32
        %dma_start3A_447 = arith.constant 0 : i32
        %dma_start3A_448 = arith.constant 0 : i32
        %dma_start3A_449 = tpu.memref_slice %arg6[%dma_start3A_447, %dma_start3A_448] : memref<400x128xf32, #tpu.memory_space<vmem>> -> memref<50x128xf32, #tpu.memory_space<vmem>>
        %dma_start3A_450 = tpu.memref_slice %arg5[%mul3A_446] : memref<16384xi32, #tpu.memory_space<vmem>> -> memref<50xi32, #tpu.memory_space<vmem>>
        %dma_start3A_451 = arith.constant 0 : i32
        %dma_start3A_452 = arith.constant 0 : i32
        %dma_start3A_453 = tpu.memref_slice %arg3[%dma_start3A_451, %dma_start3A_452] : memref<100000x128xf32, #tpu.memory_space<hbm>> -> memref<100000x128xf32, #tpu.memory_space<hbm>>
        tpu.enqueue_indirect_dma source(%dma_start3A_453 : memref<100000x128xf32, #tpu.memory_space<hbm>>) target(%dma_start3A_449 : memref<50x128xf32, #tpu.memory_space<vmem>>) offsets(%dma_start3A_450 : memref<50xi32, #tpu.memory_space<vmem>>) semaphore(%arg10 : memref<!tpu.dma_semaphore, #tpu.memory_space<semaphore_mem>>)
        %mul3A_454 = arith.constant 8 : i32
        %mul3A_455 = arith.muli %add3A_440, %mul3A_454 : i32
        %add3A_456 = arith.constant 1 : i32
        %add3A_457 = arith.addi %mul3A_455, %add3A_456 : i32
        %mul3A_458 = arith.constant 128 : i32
        %mul3A_459 = arith.muli %add3A_457, %mul3A_458 : i32
        %dma_start3A_460 = arith.constant 50 : i32
        %dma_start3A_461 = arith.constant 0 : i32
        %dma_start3A_462 = tpu.memref_slice %arg6[%dma_start3A_460, %dma_start3A_461] : memref<400x128xf32, #tpu.memory_space<vmem>> -> memref<50x128xf32, #tpu.memory_space<vmem>>
        %dma_start3A_463 = tpu.memref_slice %arg5[%mul3A_459] : memref<16384xi32, #tpu.memory_space<vmem>> -> memref<50xi32, #tpu.memory_space<vmem>>
        %dma_start3A_464 = arith.constant 0 : i32
        %dma_start3A_465 = arith.constant 0 : i32
        %dma_start3A_466 = tpu.memref_slice %arg3[%dma_start3A_464, %dma_start3A_465] : memref<100000x128xf32, #tpu.memory_space<hbm>> -> memref<100000x128xf32, #tpu.memory_space<hbm>>
        tpu.enqueue_indirect_dma source(%dma_start3A_466 : memref<100000x128xf32, #tpu.memory_space<hbm>>) target(%dma_start3A_462 : memref<50x128xf32, #tpu.memory_space<vmem>>) offsets(%dma_start3A_463 : memref<50xi32, #tpu.memory_space<vmem>>) semaphore(%arg10 : memref<!tpu.dma_semaphore, #tpu.memory_space<semaphore_mem>>)
        %mul3A_467 = arith.constant 8 : i32
        %mul3A_468 = arith.muli %add3A_440, %mul3A_467 : i32
        %add3A_469 = arith.constant 2 : i32
        %add3A_470 = arith.addi %mul3A_468, %add3A_469 : i32
        %mul3A_471 = arith.constant 128 : i32
        %mul3A_472 = arith.muli %add3A_470, %mul3A_471 : i32
        %dma_start3A_473 = arith.constant 100 : i32
        %dma_start3A_474 = arith.constant 0 : i32
        %dma_start3A_475 = tpu.memref_slice %arg6[%dma_start3A_473, %dma_start3A_474] : memref<400x128xf32, #tpu.memory_space<vmem>> -> memref<50x128xf32, #tpu.memory_space<vmem>>
        %dma_start3A_476 = tpu.memref_slice %arg5[%mul3A_472] : memref<16384xi32, #tpu.memory_space<vmem>> -> memref<50xi32, #tpu.memory_space<vmem>>
        %dma_start3A_477 = arith.constant 0 : i32
        %dma_start3A_478 = arith.constant 0 : i32
        %dma_start3A_479 = tpu.memref_slice %arg3[%dma_start3A_477, %dma_start3A_478] : memref<100000x128xf32, #tpu.memory_space<hbm>> -> memref<100000x128xf32, #tpu.memory_space<hbm>>
        tpu.enqueue_indirect_dma source(%dma_start3A_479 : memref<100000x128xf32, #tpu.memory_space<hbm>>) target(%dma_start3A_475 : memref<50x128xf32, #tpu.memory_space<vmem>>) offsets(%dma_start3A_476 : memref<50xi32, #tpu.memory_space<vmem>>) semaphore(%arg10 : memref<!tpu.dma_semaphore, #tpu.memory_space<semaphore_mem>>)
        %mul3A_480 = arith.constant 8 : i32
        %mul3A_481 = arith.muli %add3A_440, %mul3A_480 : i32
        %add3A_482 = arith.constant 3 : i32
        %add3A_483 = arith.addi %mul3A_481, %add3A_482 : i32
        %mul3A_484 = arith.constant 128 : i32
        %mul3A_485 = arith.muli %add3A_483, %mul3A_484 : i32
        %dma_start3A_486 = arith.constant 150 : i32
        %dma_start3A_487 = arith.constant 0 : i32
        %dma_start3A_488 = tpu.memref_slice %arg6[%dma_start3A_486, %dma_start3A_487] : memref<400x128xf32, #tpu.memory_space<vmem>> -> memref<50x128xf32, #tpu.memory_space<vmem>>
        %dma_start3A_489 = tpu.memref_slice %arg5[%mul3A_485] : memref<16384xi32, #tpu.memory_space<vmem>> -> memref<50xi32, #tpu.memory_space<vmem>>
        %dma_start3A_490 = arith.constant 0 : i32
        %dma_start3A_491 = arith.constant 0 : i32
        %dma_start3A_492 = tpu.memref_slice %arg3[%dma_start3A_490, %dma_start3A_491] : memref<100000x128xf32, #tpu.memory_space<hbm>> -> memref<100000x128xf32, #tpu.memory_space<hbm>>
        tpu.enqueue_indirect_dma source(%dma_start3A_492 : memref<100000x128xf32, #tpu.memory_space<hbm>>) target(%dma_start3A_488 : memref<50x128xf32, #tpu.memory_space<vmem>>) offsets(%dma_start3A_489 : memref<50xi32, #tpu.memory_space<vmem>>) semaphore(%arg10 : memref<!tpu.dma_semaphore, #tpu.memory_space<semaphore_mem>>)
        %mul3A_493 = arith.constant 8 : i32
        %mul3A_494 = arith.muli %add3A_440, %mul3A_493 : i32
        %add3A_495 = arith.constant 4 : i32
        %add3A_496 = arith.addi %mul3A_494, %add3A_495 : i32
        %mul3A_497 = arith.constant 128 : i32
        %mul3A_498 = arith.muli %add3A_496, %mul3A_497 : i32
        %dma_start3A_499 = arith.constant 200 : i32
        %dma_start3A_500 = arith.constant 0 : i32
        %dma_start3A_501 = tpu.memref_slice %arg6[%dma_start3A_499, %dma_start3A_500] : memref<400x128xf32, #tpu.memory_space<vmem>> -> memref<50x128xf32, #tpu.memory_space<vmem>>
        %dma_start3A_502 = tpu.memref_slice %arg5[%mul3A_498] : memref<16384xi32, #tpu.memory_space<vmem>> -> memref<50xi32, #tpu.memory_space<vmem>>
        %dma_start3A_503 = arith.constant 0 : i32
        %dma_start3A_504 = arith.constant 0 : i32
        %dma_start3A_505 = tpu.memref_slice %arg3[%dma_start3A_503, %dma_start3A_504] : memref<100000x128xf32, #tpu.memory_space<hbm>> -> memref<100000x128xf32, #tpu.memory_space<hbm>>
        tpu.enqueue_indirect_dma source(%dma_start3A_505 : memref<100000x128xf32, #tpu.memory_space<hbm>>) target(%dma_start3A_501 : memref<50x128xf32, #tpu.memory_space<vmem>>) offsets(%dma_start3A_502 : memref<50xi32, #tpu.memory_space<vmem>>) semaphore(%arg10 : memref<!tpu.dma_semaphore, #tpu.memory_space<semaphore_mem>>)
        %mul3A_506 = arith.constant 8 : i32
        %mul3A_507 = arith.muli %add3A_440, %mul3A_506 : i32
        %add3A_508 = arith.constant 5 : i32
        %add3A_509 = arith.addi %mul3A_507, %add3A_508 : i32
        %mul3A_510 = arith.constant 128 : i32
        %mul3A_511 = arith.muli %add3A_509, %mul3A_510 : i32
        %dma_start3A_512 = arith.constant 250 : i32
        %dma_start3A_513 = arith.constant 0 : i32
        %dma_start3A_514 = tpu.memref_slice %arg6[%dma_start3A_512, %dma_start3A_513] : memref<400x128xf32, #tpu.memory_space<vmem>> -> memref<50x128xf32, #tpu.memory_space<vmem>>
        %dma_start3A_515 = tpu.memref_slice %arg5[%mul3A_511] : memref<16384xi32, #tpu.memory_space<vmem>> -> memref<50xi32, #tpu.memory_space<vmem>>
        %dma_start3A_516 = arith.constant 0 : i32
        %dma_start3A_517 = arith.constant 0 : i32
        %dma_start3A_518 = tpu.memref_slice %arg3[%dma_start3A_516, %dma_start3A_517] : memref<100000x128xf32, #tpu.memory_space<hbm>> -> memref<100000x128xf32, #tpu.memory_space<hbm>>
        tpu.enqueue_indirect_dma source(%dma_start3A_518 : memref<100000x128xf32, #tpu.memory_space<hbm>>) target(%dma_start3A_514 : memref<50x128xf32, #tpu.memory_space<vmem>>) offsets(%dma_start3A_515 : memref<50xi32, #tpu.memory_space<vmem>>) semaphore(%arg10 : memref<!tpu.dma_semaphore, #tpu.memory_space<semaphore_mem>>)
        %mul3A_519 = arith.constant 8 : i32
        %mul3A_520 = arith.muli %add3A_440, %mul3A_519 : i32
        %add3A_521 = arith.constant 6 : i32
        %add3A_522 = arith.addi %mul3A_520, %add3A_521 : i32
        %mul3A_523 = arith.constant 128 : i32
        %mul3A_524 = arith.muli %add3A_522, %mul3A_523 : i32
        %dma_start3A_525 = arith.constant 300 : i32
        %dma_start3A_526 = arith.constant 0 : i32
        %dma_start3A_527 = tpu.memref_slice %arg6[%dma_start3A_525, %dma_start3A_526] : memref<400x128xf32, #tpu.memory_space<vmem>> -> memref<50x128xf32, #tpu.memory_space<vmem>>
        %dma_start3A_528 = tpu.memref_slice %arg5[%mul3A_524] : memref<16384xi32, #tpu.memory_space<vmem>> -> memref<50xi32, #tpu.memory_space<vmem>>
        %dma_start3A_529 = arith.constant 0 : i32
        %dma_start3A_530 = arith.constant 0 : i32
        %dma_start3A_531 = tpu.memref_slice %arg3[%dma_start3A_529, %dma_start3A_530] : memref<100000x128xf32, #tpu.memory_space<hbm>> -> memref<100000x128xf32, #tpu.memory_space<hbm>>
        tpu.enqueue_indirect_dma source(%dma_start3A_531 : memref<100000x128xf32, #tpu.memory_space<hbm>>) target(%dma_start3A_527 : memref<50x128xf32, #tpu.memory_space<vmem>>) offsets(%dma_start3A_528 : memref<50xi32, #tpu.memory_space<vmem>>) semaphore(%arg10 : memref<!tpu.dma_semaphore, #tpu.memory_space<semaphore_mem>>)
        %mul3A_532 = arith.constant 8 : i32
        %mul3A_533 = arith.muli %add3A_440, %mul3A_532 : i32
        %add3A_534 = arith.constant 7 : i32
        %add3A_535 = arith.addi %mul3A_533, %add3A_534 : i32
        %mul3A_536 = arith.constant 128 : i32
        %mul3A_537 = arith.muli %add3A_535, %mul3A_536 : i32
        %dma_start3A_538 = arith.constant 350 : i32
        %dma_start3A_539 = arith.constant 0 : i32
        %dma_start3A_540 = tpu.memref_slice %arg6[%dma_start3A_538, %dma_start3A_539] : memref<400x128xf32, #tpu.memory_space<vmem>> -> memref<50x128xf32, #tpu.memory_space<vmem>>
        %dma_start3A_541 = tpu.memref_slice %arg5[%mul3A_537] : memref<16384xi32, #tpu.memory_space<vmem>> -> memref<50xi32, #tpu.memory_space<vmem>>
        %dma_start3A_542 = arith.constant 0 : i32
        %dma_start3A_543 = arith.constant 0 : i32
        %dma_start3A_544 = tpu.memref_slice %arg3[%dma_start3A_542, %dma_start3A_543] : memref<100000x128xf32, #tpu.memory_space<hbm>> -> memref<100000x128xf32, #tpu.memory_space<hbm>>
        tpu.enqueue_indirect_dma source(%dma_start3A_544 : memref<100000x128xf32, #tpu.memory_space<hbm>>) target(%dma_start3A_540 : memref<50x128xf32, #tpu.memory_space<vmem>>) offsets(%dma_start3A_541 : memref<50xi32, #tpu.memory_space<vmem>>) semaphore(%arg10 : memref<!tpu.dma_semaphore, #tpu.memory_space<semaphore_mem>>)
      } else {
      }
      %add3A_314 = arith.constant 1 : i32
      %add3A_315 = arith.addi %add3A_83, %add3A_314 : i32
      %mul3A_316 = arith.constant 8 : i32
      %mul3A_317 = arith.muli %add3A_315, %mul3A_316 : i32
      %add3A_318 = arith.constant 0 : i32
      %add3A_319 = arith.addi %mul3A_317, %add3A_318 : i32
      %mul3A_320 = arith.constant 128 : i32
      %mul3A_321 = arith.muli %add3A_319, %mul3A_320 : i32
      %dma_wait3A_322 = arith.constant 0 : i32
      %dma_wait3A_323 = arith.constant 0 : i32
      %dma_wait3A_324 = tpu.memref_slice %arg7[%dma_wait3A_322, %dma_wait3A_323] : memref<400x128xf32, #tpu.memory_space<vmem>> -> memref<50x128xf32, #tpu.memory_space<vmem>>
      %dma_wait3A_325 = tpu.memref_slice %arg5[%mul3A_321] : memref<16384xi32, #tpu.memory_space<vmem>> -> memref<50xi32, #tpu.memory_space<vmem>>
      %dma_wait3A_326 = arith.constant 0 : i32
      %dma_wait3A_327 = arith.constant 0 : i32
      %dma_wait3A_328 = tpu.memref_slice %arg3[%dma_wait3A_326, %dma_wait3A_327] : memref<100000x128xf32, #tpu.memory_space<hbm>> -> memref<100000x128xf32, #tpu.memory_space<hbm>>
      tpu.wait_indirect_dma semaphore(%arg11 : memref<!tpu.dma_semaphore, #tpu.memory_space<semaphore_mem>>) src(%dma_wait3A_328 : memref<100000x128xf32, #tpu.memory_space<hbm>>) dst(%dma_wait3A_324 : memref<50x128xf32, #tpu.memory_space<vmem>>)
      %mul3A_329 = arith.constant 8 : i32
      %mul3A_330 = arith.muli %add3A_315, %mul3A_329 : i32
      %add3A_331 = arith.constant 1 : i32
      %add3A_332 = arith.addi %mul3A_330, %add3A_331 : i32
      %mul3A_333 = arith.constant 128 : i32
      %mul3A_334 = arith.muli %add3A_332, %mul3A_333 : i32
      %dma_wait3A_335 = arith.constant 50 : i32
      %dma_wait3A_336 = arith.constant 0 : i32
      %dma_wait3A_337 = tpu.memref_slice %arg7[%dma_wait3A_335, %dma_wait3A_336] : memref<400x128xf32, #tpu.memory_space<vmem>> -> memref<50x128xf32, #tpu.memory_space<vmem>>
      %dma_wait3A_338 = tpu.memref_slice %arg5[%mul3A_334] : memref<16384xi32, #tpu.memory_space<vmem>> -> memref<50xi32, #tpu.memory_space<vmem>>
      %dma_wait3A_339 = arith.constant 0 : i32
      %dma_wait3A_340 = arith.constant 0 : i32
      %dma_wait3A_341 = tpu.memref_slice %arg3[%dma_wait3A_339, %dma_wait3A_340] : memref<100000x128xf32, #tpu.memory_space<hbm>> -> memref<100000x128xf32, #tpu.memory_space<hbm>>
      tpu.wait_indirect_dma semaphore(%arg11 : memref<!tpu.dma_semaphore, #tpu.memory_space<semaphore_mem>>) src(%dma_wait3A_341 : memref<100000x128xf32, #tpu.memory_space<hbm>>) dst(%dma_wait3A_337 : memref<50x128xf32, #tpu.memory_space<vmem>>)
      %mul3A_342 = arith.constant 8 : i32
      %mul3A_343 = arith.muli %add3A_315, %mul3A_342 : i32
      %add3A_344 = arith.constant 2 : i32
      %add3A_345 = arith.addi %mul3A_343, %add3A_344 : i32
      %mul3A_346 = arith.constant 128 : i32
      %mul3A_347 = arith.muli %add3A_345, %mul3A_346 : i32
      %dma_wait3A_348 = arith.constant 100 : i32
      %dma_wait3A_349 = arith.constant 0 : i32
      %dma_wait3A_350 = tpu.memref_slice %arg7[%dma_wait3A_348, %dma_wait3A_349] : memref<400x128xf32, #tpu.memory_space<vmem>> -> memref<50x128xf32, #tpu.memory_space<vmem>>
      %dma_wait3A_351 = tpu.memref_slice %arg5[%mul3A_347] : memref<16384xi32, #tpu.memory_space<vmem>> -> memref<50xi32, #tpu.memory_space<vmem>>
      %dma_wait3A_352 = arith.constant 0 : i32
      %dma_wait3A_353 = arith.constant 0 : i32
      %dma_wait3A_354 = tpu.memref_slice %arg3[%dma_wait3A_352, %dma_wait3A_353] : memref<100000x128xf32, #tpu.memory_space<hbm>> -> memref<100000x128xf32, #tpu.memory_space<hbm>>
      tpu.wait_indirect_dma semaphore(%arg11 : memref<!tpu.dma_semaphore, #tpu.memory_space<semaphore_mem>>) src(%dma_wait3A_354 : memref<100000x128xf32, #tpu.memory_space<hbm>>) dst(%dma_wait3A_350 : memref<50x128xf32, #tpu.memory_space<vmem>>)
      %mul3A_355 = arith.constant 8 : i32
      %mul3A_356 = arith.muli %add3A_315, %mul3A_355 : i32
      %add3A_357 = arith.constant 3 : i32
      %add3A_358 = arith.addi %mul3A_356, %add3A_357 : i32
      %mul3A_359 = arith.constant 128 : i32
      %mul3A_360 = arith.muli %add3A_358, %mul3A_359 : i32
      %dma_wait3A_361 = arith.constant 150 : i32
      %dma_wait3A_362 = arith.constant 0 : i32
      %dma_wait3A_363 = tpu.memref_slice %arg7[%dma_wait3A_361, %dma_wait3A_362] : memref<400x128xf32, #tpu.memory_space<vmem>> -> memref<50x128xf32, #tpu.memory_space<vmem>>
      %dma_wait3A_364 = tpu.memref_slice %arg5[%mul3A_360] : memref<16384xi32, #tpu.memory_space<vmem>> -> memref<50xi32, #tpu.memory_space<vmem>>
      %dma_wait3A_365 = arith.constant 0 : i32
      %dma_wait3A_366 = arith.constant 0 : i32
      %dma_wait3A_367 = tpu.memref_slice %arg3[%dma_wait3A_365, %dma_wait3A_366] : memref<100000x128xf32, #tpu.memory_space<hbm>> -> memref<100000x128xf32, #tpu.memory_space<hbm>>
      tpu.wait_indirect_dma semaphore(%arg11 : memref<!tpu.dma_semaphore, #tpu.memory_space<semaphore_mem>>) src(%dma_wait3A_367 : memref<100000x128xf32, #tpu.memory_space<hbm>>) dst(%dma_wait3A_363 : memref<50x128xf32, #tpu.memory_space<vmem>>)
      %mul3A_368 = arith.constant 8 : i32
      %mul3A_369 = arith.muli %add3A_315, %mul3A_368 : i32
      %add3A_370 = arith.constant 4 : i32
      %add3A_371 = arith.addi %mul3A_369, %add3A_370 : i32
      %mul3A_372 = arith.constant 128 : i32
      %mul3A_373 = arith.muli %add3A_371, %mul3A_372 : i32
      %dma_wait3A_374 = arith.constant 200 : i32
      %dma_wait3A_375 = arith.constant 0 : i32
      %dma_wait3A_376 = tpu.memref_slice %arg7[%dma_wait3A_374, %dma_wait3A_375] : memref<400x128xf32, #tpu.memory_space<vmem>> -> memref<50x128xf32, #tpu.memory_space<vmem>>
      %dma_wait3A_377 = tpu.memref_slice %arg5[%mul3A_373] : memref<16384xi32, #tpu.memory_space<vmem>> -> memref<50xi32, #tpu.memory_space<vmem>>
      %dma_wait3A_378 = arith.constant 0 : i32
      %dma_wait3A_379 = arith.constant 0 : i32
      %dma_wait3A_380 = tpu.memref_slice %arg3[%dma_wait3A_378, %dma_wait3A_379] : memref<100000x128xf32, #tpu.memory_space<hbm>> -> memref<100000x128xf32, #tpu.memory_space<hbm>>
      tpu.wait_indirect_dma semaphore(%arg11 : memref<!tpu.dma_semaphore, #tpu.memory_space<semaphore_mem>>) src(%dma_wait3A_380 : memref<100000x128xf32, #tpu.memory_space<hbm>>) dst(%dma_wait3A_376 : memref<50x128xf32, #tpu.memory_space<vmem>>)
      %mul3A_381 = arith.constant 8 : i32
      %mul3A_382 = arith.muli %add3A_315, %mul3A_381 : i32
      %add3A_383 = arith.constant 5 : i32
      %add3A_384 = arith.addi %mul3A_382, %add3A_383 : i32
      %mul3A_385 = arith.constant 128 : i32
      %mul3A_386 = arith.muli %add3A_384, %mul3A_385 : i32
      %dma_wait3A_387 = arith.constant 250 : i32
      %dma_wait3A_388 = arith.constant 0 : i32
      %dma_wait3A_389 = tpu.memref_slice %arg7[%dma_wait3A_387, %dma_wait3A_388] : memref<400x128xf32, #tpu.memory_space<vmem>> -> memref<50x128xf32, #tpu.memory_space<vmem>>
      %dma_wait3A_390 = tpu.memref_slice %arg5[%mul3A_386] : memref<16384xi32, #tpu.memory_space<vmem>> -> memref<50xi32, #tpu.memory_space<vmem>>
      %dma_wait3A_391 = arith.constant 0 : i32
      %dma_wait3A_392 = arith.constant 0 : i32
      %dma_wait3A_393 = tpu.memref_slice %arg3[%dma_wait3A_391, %dma_wait3A_392] : memref<100000x128xf32, #tpu.memory_space<hbm>> -> memref<100000x128xf32, #tpu.memory_space<hbm>>
      tpu.wait_indirect_dma semaphore(%arg11 : memref<!tpu.dma_semaphore, #tpu.memory_space<semaphore_mem>>) src(%dma_wait3A_393 : memref<100000x128xf32, #tpu.memory_space<hbm>>) dst(%dma_wait3A_389 : memref<50x128xf32, #tpu.memory_space<vmem>>)
      %mul3A_394 = arith.constant 8 : i32
      %mul3A_395 = arith.muli %add3A_315, %mul3A_394 : i32
      %add3A_396 = arith.constant 6 : i32
      %add3A_397 = arith.addi %mul3A_395, %add3A_396 : i32
      %mul3A_398 = arith.constant 128 : i32
      %mul3A_399 = arith.muli %add3A_397, %mul3A_398 : i32
      %dma_wait3A_400 = arith.constant 300 : i32
      %dma_wait3A_401 = arith.constant 0 : i32
      %dma_wait3A_402 = tpu.memref_slice %arg7[%dma_wait3A_400, %dma_wait3A_401] : memref<400x128xf32, #tpu.memory_space<vmem>> -> memref<50x128xf32, #tpu.memory_space<vmem>>
      %dma_wait3A_403 = tpu.memref_slice %arg5[%mul3A_399] : memref<16384xi32, #tpu.memory_space<vmem>> -> memref<50xi32, #tpu.memory_space<vmem>>
      %dma_wait3A_404 = arith.constant 0 : i32
      %dma_wait3A_405 = arith.constant 0 : i32
      %dma_wait3A_406 = tpu.memref_slice %arg3[%dma_wait3A_404, %dma_wait3A_405] : memref<100000x128xf32, #tpu.memory_space<hbm>> -> memref<100000x128xf32, #tpu.memory_space<hbm>>
      tpu.wait_indirect_dma semaphore(%arg11 : memref<!tpu.dma_semaphore, #tpu.memory_space<semaphore_mem>>) src(%dma_wait3A_406 : memref<100000x128xf32, #tpu.memory_space<hbm>>) dst(%dma_wait3A_402 : memref<50x128xf32, #tpu.memory_space<vmem>>)
      %mul3A_407 = arith.constant 8 : i32
      %mul3A_408 = arith.muli %add3A_315, %mul3A_407 : i32
      %add3A_409 = arith.constant 7 : i32
      %add3A_410 = arith.addi %mul3A_408, %add3A_409 : i32
      %mul3A_411 = arith.constant 128 : i32
      %mul3A_412 = arith.muli %add3A_410, %mul3A_411 : i32
      %dma_wait3A_413 = arith.constant 350 : i32
      %dma_wait3A_414 = arith.constant 0 : i32
      %dma_wait3A_415 = tpu.memref_slice %arg7[%dma_wait3A_413, %dma_wait3A_414] : memref<400x128xf32, #tpu.memory_space<vmem>> -> memref<50x128xf32, #tpu.memory_space<vmem>>
      %dma_wait3A_416 = tpu.memref_slice %arg5[%mul3A_412] : memref<16384xi32, #tpu.memory_space<vmem>> -> memref<50xi32, #tpu.memory_space<vmem>>
      %dma_wait3A_417 = arith.constant 0 : i32
      %dma_wait3A_418 = arith.constant 0 : i32
      %dma_wait3A_419 = tpu.memref_slice %arg3[%dma_wait3A_417, %dma_wait3A_418] : memref<100000x128xf32, #tpu.memory_space<hbm>> -> memref<100000x128xf32, #tpu.memory_space<hbm>>
      tpu.wait_indirect_dma semaphore(%arg11 : memref<!tpu.dma_semaphore, #tpu.memory_space<semaphore_mem>>) src(%dma_wait3A_419 : memref<100000x128xf32, #tpu.memory_space<hbm>>) dst(%dma_wait3A_415 : memref<50x128xf32, #tpu.memory_space<vmem>>)
      %add3A_420 = arith.constant 1 : i32
      %add3A_421 = arith.addi %add3A_83, %add3A_420 : i32
      %mul3A_422 = arith.constant 8 : i32
      %mul3A_423 = arith.muli %add3A_421, %mul3A_422 : i32
      %add3A_424 = arith.addi %mul3A_2, %mul3A_423 : i32
      %ge3A_425 = arith.constant 2 : i32
      %ge3A_426 = arith.cmpi sge, %add3A_421, %ge3A_425 : i32
      %convert_element_type3A_427 = arith.extui %ge3A_426 : i1 to i32
      %cond3A_428 = arith.constant 0 : i32
      %cond3A_429 = arith.cmpi ne, %convert_element_type3A_427, %cond3A_428 : i32
      scf.if %cond3A_429 {
        %dma_wait3A_439 = arith.constant 0 : i32
        %dma_wait3A_440 = tpu.memref_slice %arg4[%add3A_424, %dma_wait3A_439] : memref<4096x128xf32, #tpu.memory_space<hbm>> -> memref<8x128xf32, #tpu.memory_space<hbm>>
        %dma_wait3A_441 = arith.constant 0 : i32
        %dma_wait3A_442 = tpu.memref_slice %arg4[%add3A_424, %dma_wait3A_441] : memref<4096x128xf32, #tpu.memory_space<hbm>> -> memref<8x128xf32, #tpu.memory_space<hbm>>
        tpu.wait_dma2 semaphore(%arg13 : memref<!tpu.dma_semaphore, #tpu.memory_space<semaphore_mem>>) src(%arg9 : memref<8x128xf32, #tpu.memory_space<vmem>>) dst(%dma_wait3A_442 : memref<8x128xf32, #tpu.memory_space<hbm>>)
      } else {
      }
      %scan3A_430 = arith.constant 0 : i32
      %scan3A_431 = arith.constant 8 : i32
      %scan3A_432 = arith.addi %scan3A_430, %scan3A_431 : i32
      %scan3A_433 = arith.constant 1 : i32
      scf.for %scan3A_439 = %scan3A_430 to %scan3A_432 step %scan3A_433  : i32 {
        %mul3A_440 = arith.constant 1 : i32
        %mul3A_441 = arith.muli %scan3A_439, %mul3A_440 : i32
        %add3A_442 = arith.constant 0 : i32
        %add3A_443 = arith.addi %add3A_442, %mul3A_441 : i32
        %broadcast_in_dim3A = arith.constant 0.000000e+00 : f32
        %broadcast_in_dim3A_444 = vector.broadcast %broadcast_in_dim3A : f32 to vector<16xf32>
        %broadcast_in_dim3A_445 = arith.constant 0.000000e+00 : f32
        %broadcast_in_dim3A_446 = vector.broadcast %broadcast_in_dim3A_445 : f32 to vector<16xf32>
        %broadcast_in_dim3A_447 = arith.constant 0.000000e+00 : f32
        %broadcast_in_dim3A_448 = vector.broadcast %broadcast_in_dim3A_447 : f32 to vector<16xf32>
        %broadcast_in_dim3A_449 = arith.constant 0.000000e+00 : f32
        %broadcast_in_dim3A_450 = vector.broadcast %broadcast_in_dim3A_449 : f32 to vector<16xf32>
        %broadcast_in_dim3A_451 = arith.constant 0.000000e+00 : f32
        %broadcast_in_dim3A_452 = vector.broadcast %broadcast_in_dim3A_451 : f32 to vector<16xf32>
        %broadcast_in_dim3A_453 = arith.constant 0.000000e+00 : f32
        %broadcast_in_dim3A_454 = vector.broadcast %broadcast_in_dim3A_453 : f32 to vector<16xf32>
        %broadcast_in_dim3A_455 = arith.constant 0.000000e+00 : f32
        %broadcast_in_dim3A_456 = vector.broadcast %broadcast_in_dim3A_455 : f32 to vector<16xf32>
        %broadcast_in_dim3A_457 = arith.constant 0.000000e+00 : f32
        %broadcast_in_dim3A_458 = vector.broadcast %broadcast_in_dim3A_457 : f32 to vector<16xf32>
        %scan3A_459 = arith.constant 0 : i32
        %scan3A_460 = arith.constant 10 : i32
        %scan3A_461 = arith.addi %scan3A_459, %scan3A_460 : i32
        %scan3A_462 = arith.constant 1 : i32
        %scan3A_463:8 = scf.for %scan3A_572 = %scan3A_459 to %scan3A_461 step %scan3A_462 iter_args(%scan3A_573 = %broadcast_in_dim3A_444, %scan3A_574 = %broadcast_in_dim3A_446, %scan3A_575 = %broadcast_in_dim3A_448, %scan3A_576 = %broadcast_in_dim3A_450, %scan3A_577 = %broadcast_in_dim3A_452, %scan3A_578 = %broadcast_in_dim3A_454, %scan3A_579 = %broadcast_in_dim3A_456, %scan3A_580 = %broadcast_in_dim3A_458) -> (vector<16xf32>, vector<16xf32>, vector<16xf32>, vector<16xf32>, vector<16xf32>, vector<16xf32>, vector<16xf32>, vector<16xf32>)  : i32 {
          %mul3A_581 = arith.constant 50 : i32
          %mul3A_582 = arith.muli %add3A_443, %mul3A_581 : i32
          %mul3A_583 = arith.constant 5 : i32
          %mul3A_584 = arith.muli %scan3A_572, %mul3A_583 : i32
          %add3A_585 = arith.addi %mul3A_582, %mul3A_584 : i32
          %add3A_586 = arith.constant 0 : i32
          %add3A_587 = arith.addi %add3A_585, %add3A_586 : i32
          %get3A_588 = arith.index_cast %add3A_587 : i32 to index
          %get3A_589 = arith.constant 0 : index
          %get3A_590 = tpu.vector_load %arg7[%get3A_588, %get3A_589] {strides = array<i32>} : memref<400x128xf32, #tpu.memory_space<vmem>>, vector<16xf32>,
          %add3A_591 = arith.addf %scan3A_573, %get3A_590 : vector<16xf32>
          %get3A_592 = arith.index_cast %add3A_587 : i32 to index
          %get3A_593 = arith.constant 16 : index
          %get3A_594 = tpu.vector_load %arg7[%get3A_592, %get3A_593] {strides = array<i32>} : memref<400x128xf32, #tpu.memory_space<vmem>>, vector<16xf32>,
          %add3A_595 = arith.addf %scan3A_574, %get3A_594 : vector<16xf32>
          %get3A_596 = arith.index_cast %add3A_587 : i32 to index
          %get3A_597 = arith.constant 32 : index
          %get3A_598 = tpu.vector_load %arg7[%get3A_596, %get3A_597] {strides = array<i32>} : memref<400x128xf32, #tpu.memory_space<vmem>>, vector<16xf32>,
          %add3A_599 = arith.addf %scan3A_575, %get3A_598 : vector<16xf32>
          %get3A_600 = arith.index_cast %add3A_587 : i32 to index
          %get3A_601 = arith.constant 48 : index
          %get3A_602 = tpu.vector_load %arg7[%get3A_600, %get3A_601] {strides = array<i32>} : memref<400x128xf32, #tpu.memory_space<vmem>>, vector<16xf32>,
          %add3A_603 = arith.addf %scan3A_576, %get3A_602 : vector<16xf32>
          %get3A_604 = arith.index_cast %add3A_587 : i32 to index
          %get3A_605 = arith.constant 64 : index
          %get3A_606 = tpu.vector_load %arg7[%get3A_604, %get3A_605] {strides = array<i32>} : memref<400x128xf32, #tpu.memory_space<vmem>>, vector<16xf32>,
          %add3A_607 = arith.addf %scan3A_577, %get3A_606 : vector<16xf32>
          %get3A_608 = arith.index_cast %add3A_587 : i32 to index
          %get3A_609 = arith.constant 80 : index
          %get3A_610 = tpu.vector_load %arg7[%get3A_608, %get3A_609] {strides = array<i32>} : memref<400x128xf32, #tpu.memory_space<vmem>>, vector<16xf32>,
          %add3A_611 = arith.addf %scan3A_578, %get3A_610 : vector<16xf32>
          %get3A_612 = arith.index_cast %add3A_587 : i32 to index
          %get3A_613 = arith.constant 96 : index
          %get3A_614 = tpu.vector_load %arg7[%get3A_612, %get3A_613] {strides = array<i32>} : memref<400x128xf32, #tpu.memory_space<vmem>>, vector<16xf32>,
          %add3A_615 = arith.addf %scan3A_579, %get3A_614 : vector<16xf32>
          %get3A_616 = arith.index_cast %add3A_587 : i32 to index
          %get3A_617 = arith.constant 112 : index
          %get3A_618 = tpu.vector_load %arg7[%get3A_616, %get3A_617] {strides = array<i32>} : memref<400x128xf32, #tpu.memory_space<vmem>>, vector<16xf32>,
          %add3A_619 = arith.addf %scan3A_580, %get3A_618 : vector<16xf32>
          %mul3A_620 = arith.constant 50 : i32
          %mul3A_621 = arith.muli %add3A_443, %mul3A_620 : i32
          %mul3A_622 = arith.constant 5 : i32
          %mul3A_623 = arith.muli %scan3A_572, %mul3A_622 : i32
          %add3A_624 = arith.addi %mul3A_621, %mul3A_623 : i32
          %add3A_625 = arith.constant 1 : i32
          %add3A_626 = arith.addi %add3A_624, %add3A_625 : i32
          %get3A_627 = arith.index_cast %add3A_626 : i32 to index
          %get3A_628 = arith.constant 0 : index
          %get3A_629 = tpu.vector_load %arg7[%get3A_627, %get3A_628] {strides = array<i32>} : memref<400x128xf32, #tpu.memory_space<vmem>>, vector<16xf32>,
          %add3A_630 = arith.addf %add3A_591, %get3A_629 : vector<16xf32>
          %get3A_631 = arith.index_cast %add3A_626 : i32 to index
          %get3A_632 = arith.constant 16 : index
          %get3A_633 = tpu.vector_load %arg7[%get3A_631, %get3A_632] {strides = array<i32>} : memref<400x128xf32, #tpu.memory_space<vmem>>, vector<16xf32>,
          %add3A_634 = arith.addf %add3A_595, %get3A_633 : vector<16xf32>
          %get3A_635 = arith.index_cast %add3A_626 : i32 to index
          %get3A_636 = arith.constant 32 : index
          %get3A_637 = tpu.vector_load %arg7[%get3A_635, %get3A_636] {strides = array<i32>} : memref<400x128xf32, #tpu.memory_space<vmem>>, vector<16xf32>,
          %add3A_638 = arith.addf %add3A_599, %get3A_637 : vector<16xf32>
          %get3A_639 = arith.index_cast %add3A_626 : i32 to index
          %get3A_640 = arith.constant 48 : index
          %get3A_641 = tpu.vector_load %arg7[%get3A_639, %get3A_640] {strides = array<i32>} : memref<400x128xf32, #tpu.memory_space<vmem>>, vector<16xf32>,
          %add3A_642 = arith.addf %add3A_603, %get3A_641 : vector<16xf32>
          %get3A_643 = arith.index_cast %add3A_626 : i32 to index
          %get3A_644 = arith.constant 64 : index
          %get3A_645 = tpu.vector_load %arg7[%get3A_643, %get3A_644] {strides = array<i32>} : memref<400x128xf32, #tpu.memory_space<vmem>>, vector<16xf32>,
          %add3A_646 = arith.addf %add3A_607, %get3A_645 : vector<16xf32>
          %get3A_647 = arith.index_cast %add3A_626 : i32 to index
          %get3A_648 = arith.constant 80 : index
          %get3A_649 = tpu.vector_load %arg7[%get3A_647, %get3A_648] {strides = array<i32>} : memref<400x128xf32, #tpu.memory_space<vmem>>, vector<16xf32>,
          %add3A_650 = arith.addf %add3A_611, %get3A_649 : vector<16xf32>
          %get3A_651 = arith.index_cast %add3A_626 : i32 to index
          %get3A_652 = arith.constant 96 : index
          %get3A_653 = tpu.vector_load %arg7[%get3A_651, %get3A_652] {strides = array<i32>} : memref<400x128xf32, #tpu.memory_space<vmem>>, vector<16xf32>,
          %add3A_654 = arith.addf %add3A_615, %get3A_653 : vector<16xf32>
          %get3A_655 = arith.index_cast %add3A_626 : i32 to index
          %get3A_656 = arith.constant 112 : index
          %get3A_657 = tpu.vector_load %arg7[%get3A_655, %get3A_656] {strides = array<i32>} : memref<400x128xf32, #tpu.memory_space<vmem>>, vector<16xf32>,
          %add3A_658 = arith.addf %add3A_619, %get3A_657 : vector<16xf32>
          %mul3A_659 = arith.constant 50 : i32
          %mul3A_660 = arith.muli %add3A_443, %mul3A_659 : i32
          %mul3A_661 = arith.constant 5 : i32
          %mul3A_662 = arith.muli %scan3A_572, %mul3A_661 : i32
          %add3A_663 = arith.addi %mul3A_660, %mul3A_662 : i32
          %add3A_664 = arith.constant 2 : i32
          %add3A_665 = arith.addi %add3A_663, %add3A_664 : i32
          %get3A_666 = arith.index_cast %add3A_665 : i32 to index
          %get3A_667 = arith.constant 0 : index
          %get3A_668 = tpu.vector_load %arg7[%get3A_666, %get3A_667] {strides = array<i32>} : memref<400x128xf32, #tpu.memory_space<vmem>>, vector<16xf32>,
          %add3A_669 = arith.addf %add3A_630, %get3A_668 : vector<16xf32>
          %get3A_670 = arith.index_cast %add3A_665 : i32 to index
          %get3A_671 = arith.constant 16 : index
          %get3A_672 = tpu.vector_load %arg7[%get3A_670, %get3A_671] {strides = array<i32>} : memref<400x128xf32, #tpu.memory_space<vmem>>, vector<16xf32>,
          %add3A_673 = arith.addf %add3A_634, %get3A_672 : vector<16xf32>
          %get3A_674 = arith.index_cast %add3A_665 : i32 to index
          %get3A_675 = arith.constant 32 : index
          %get3A_676 = tpu.vector_load %arg7[%get3A_674, %get3A_675] {strides = array<i32>} : memref<400x128xf32, #tpu.memory_space<vmem>>, vector<16xf32>,
          %add3A_677 = arith.addf %add3A_638, %get3A_676 : vector<16xf32>
          %get3A_678 = arith.index_cast %add3A_665 : i32 to index
          %get3A_679 = arith.constant 48 : index
          %get3A_680 = tpu.vector_load %arg7[%get3A_678, %get3A_679] {strides = array<i32>} : memref<400x128xf32, #tpu.memory_space<vmem>>, vector<16xf32>,
          %add3A_681 = arith.addf %add3A_642, %get3A_680 : vector<16xf32>
          %get3A_682 = arith.index_cast %add3A_665 : i32 to index
          %get3A_683 = arith.constant 64 : index
          %get3A_684 = tpu.vector_load %arg7[%get3A_682, %get3A_683] {strides = array<i32>} : memref<400x128xf32, #tpu.memory_space<vmem>>, vector<16xf32>,
          %add3A_685 = arith.addf %add3A_646, %get3A_684 : vector<16xf32>
          %get3A_686 = arith.index_cast %add3A_665 : i32 to index
          %get3A_687 = arith.constant 80 : index
          %get3A_688 = tpu.vector_load %arg7[%get3A_686, %get3A_687] {strides = array<i32>} : memref<400x128xf32, #tpu.memory_space<vmem>>, vector<16xf32>,
          %add3A_689 = arith.addf %add3A_650, %get3A_688 : vector<16xf32>
          %get3A_690 = arith.index_cast %add3A_665 : i32 to index
          %get3A_691 = arith.constant 96 : index
          %get3A_692 = tpu.vector_load %arg7[%get3A_690, %get3A_691] {strides = array<i32>} : memref<400x128xf32, #tpu.memory_space<vmem>>, vector<16xf32>,
          %add3A_693 = arith.addf %add3A_654, %get3A_692 : vector<16xf32>
          %get3A_694 = arith.index_cast %add3A_665 : i32 to index
          %get3A_695 = arith.constant 112 : index
          %get3A_696 = tpu.vector_load %arg7[%get3A_694, %get3A_695] {strides = array<i32>} : memref<400x128xf32, #tpu.memory_space<vmem>>, vector<16xf32>,
          %add3A_697 = arith.addf %add3A_658, %get3A_696 : vector<16xf32>
          %mul3A_698 = arith.constant 50 : i32
          %mul3A_699 = arith.muli %add3A_443, %mul3A_698 : i32
          %mul3A_700 = arith.constant 5 : i32
          %mul3A_701 = arith.muli %scan3A_572, %mul3A_700 : i32
          %add3A_702 = arith.addi %mul3A_699, %mul3A_701 : i32
          %add3A_703 = arith.constant 3 : i32
          %add3A_704 = arith.addi %add3A_702, %add3A_703 : i32
          %get3A_705 = arith.index_cast %add3A_704 : i32 to index
          %get3A_706 = arith.constant 0 : index
          %get3A_707 = tpu.vector_load %arg7[%get3A_705, %get3A_706] {strides = array<i32>} : memref<400x128xf32, #tpu.memory_space<vmem>>, vector<16xf32>,
          %add3A_708 = arith.addf %add3A_669, %get3A_707 : vector<16xf32>
          %get3A_709 = arith.index_cast %add3A_704 : i32 to index
          %get3A_710 = arith.constant 16 : index
          %get3A_711 = tpu.vector_load %arg7[%get3A_709, %get3A_710] {strides = array<i32>} : memref<400x128xf32, #tpu.memory_space<vmem>>, vector<16xf32>,
          %add3A_712 = arith.addf %add3A_673, %get3A_711 : vector<16xf32>
          %get3A_713 = arith.index_cast %add3A_704 : i32 to index
          %get3A_714 = arith.constant 32 : index
          %get3A_715 = tpu.vector_load %arg7[%get3A_713, %get3A_714] {strides = array<i32>} : memref<400x128xf32, #tpu.memory_space<vmem>>, vector<16xf32>,
          %add3A_716 = arith.addf %add3A_677, %get3A_715 : vector<16xf32>
          %get3A_717 = arith.index_cast %add3A_704 : i32 to index
          %get3A_718 = arith.constant 48 : index
          %get3A_719 = tpu.vector_load %arg7[%get3A_717, %get3A_718] {strides = array<i32>} : memref<400x128xf32, #tpu.memory_space<vmem>>, vector<16xf32>,
          %add3A_720 = arith.addf %add3A_681, %get3A_719 : vector<16xf32>
          %get3A_721 = arith.index_cast %add3A_704 : i32 to index
          %get3A_722 = arith.constant 64 : index
          %get3A_723 = tpu.vector_load %arg7[%get3A_721, %get3A_722] {strides = array<i32>} : memref<400x128xf32, #tpu.memory_space<vmem>>, vector<16xf32>,
          %add3A_724 = arith.addf %add3A_685, %get3A_723 : vector<16xf32>
          %get3A_725 = arith.index_cast %add3A_704 : i32 to index
          %get3A_726 = arith.constant 80 : index
          %get3A_727 = tpu.vector_load %arg7[%get3A_725, %get3A_726] {strides = array<i32>} : memref<400x128xf32, #tpu.memory_space<vmem>>, vector<16xf32>,
          %add3A_728 = arith.addf %add3A_689, %get3A_727 : vector<16xf32>
          %get3A_729 = arith.index_cast %add3A_704 : i32 to index
          %get3A_730 = arith.constant 96 : index
          %get3A_731 = tpu.vector_load %arg7[%get3A_729, %get3A_730] {strides = array<i32>} : memref<400x128xf32, #tpu.memory_space<vmem>>, vector<16xf32>,
          %add3A_732 = arith.addf %add3A_693, %get3A_731 : vector<16xf32>
          %get3A_733 = arith.index_cast %add3A_704 : i32 to index
          %get3A_734 = arith.constant 112 : index
          %get3A_735 = tpu.vector_load %arg7[%get3A_733, %get3A_734] {strides = array<i32>} : memref<400x128xf32, #tpu.memory_space<vmem>>, vector<16xf32>,
          %add3A_736 = arith.addf %add3A_697, %get3A_735 : vector<16xf32>
          %mul3A_737 = arith.constant 50 : i32
          %mul3A_738 = arith.muli %add3A_443, %mul3A_737 : i32
          %mul3A_739 = arith.constant 5 : i32
          %mul3A_740 = arith.muli %scan3A_572, %mul3A_739 : i32
          %add3A_741 = arith.addi %mul3A_738, %mul3A_740 : i32
          %add3A_742 = arith.constant 4 : i32
          %add3A_743 = arith.addi %add3A_741, %add3A_742 : i32
          %get3A_744 = arith.index_cast %add3A_743 : i32 to index
          %get3A_745 = arith.constant 0 : index
          %get3A_746 = tpu.vector_load %arg7[%get3A_744, %get3A_745] {strides = array<i32>} : memref<400x128xf32, #tpu.memory_space<vmem>>, vector<16xf32>,
          %add3A_747 = arith.addf %add3A_708, %get3A_746 : vector<16xf32>
          %get3A_748 = arith.index_cast %add3A_743 : i32 to index
          %get3A_749 = arith.constant 16 : index
          %get3A_750 = tpu.vector_load %arg7[%get3A_748, %get3A_749] {strides = array<i32>} : memref<400x128xf32, #tpu.memory_space<vmem>>, vector<16xf32>,
          %add3A_751 = arith.addf %add3A_712, %get3A_750 : vector<16xf32>
          %get3A_752 = arith.index_cast %add3A_743 : i32 to index
          %get3A_753 = arith.constant 32 : index
          %get3A_754 = tpu.vector_load %arg7[%get3A_752, %get3A_753] {strides = array<i32>} : memref<400x128xf32, #tpu.memory_space<vmem>>, vector<16xf32>,
          %add3A_755 = arith.addf %add3A_716, %get3A_754 : vector<16xf32>
          %get3A_756 = arith.index_cast %add3A_743 : i32 to index
          %get3A_757 = arith.constant 48 : index
          %get3A_758 = tpu.vector_load %arg7[%get3A_756, %get3A_757] {strides = array<i32>} : memref<400x128xf32, #tpu.memory_space<vmem>>, vector<16xf32>,
          %add3A_759 = arith.addf %add3A_720, %get3A_758 : vector<16xf32>
          %get3A_760 = arith.index_cast %add3A_743 : i32 to index
          %get3A_761 = arith.constant 64 : index
          %get3A_762 = tpu.vector_load %arg7[%get3A_760, %get3A_761] {strides = array<i32>} : memref<400x128xf32, #tpu.memory_space<vmem>>, vector<16xf32>,
          %add3A_763 = arith.addf %add3A_724, %get3A_762 : vector<16xf32>
          %get3A_764 = arith.index_cast %add3A_743 : i32 to index
          %get3A_765 = arith.constant 80 : index
          %get3A_766 = tpu.vector_load %arg7[%get3A_764, %get3A_765] {strides = array<i32>} : memref<400x128xf32, #tpu.memory_space<vmem>>, vector<16xf32>,
          %add3A_767 = arith.addf %add3A_728, %get3A_766 : vector<16xf32>
          %get3A_768 = arith.index_cast %add3A_743 : i32 to index
          %get3A_769 = arith.constant 96 : index
          %get3A_770 = tpu.vector_load %arg7[%get3A_768, %get3A_769] {strides = array<i32>} : memref<400x128xf32, #tpu.memory_space<vmem>>, vector<16xf32>,
          %add3A_771 = arith.addf %add3A_732, %get3A_770 : vector<16xf32>
          %get3A_772 = arith.index_cast %add3A_743 : i32 to index
          %get3A_773 = arith.constant 112 : index
          %get3A_774 = tpu.vector_load %arg7[%get3A_772, %get3A_773] {strides = array<i32>} : memref<400x128xf32, #tpu.memory_space<vmem>>, vector<16xf32>,
          %add3A_775 = arith.addf %add3A_736, %get3A_774 : vector<16xf32>
          scf.yield %add3A_747, %add3A_751, %add3A_755, %add3A_759, %add3A_763, %add3A_767, %add3A_771, %add3A_775 : vector<16xf32>, vector<16xf32>, vector<16xf32>, vector<16xf32>, vector<16xf32>, vector<16xf32>, vector<16xf32>, vector<16xf32>
        }
        %scan3A_464 = arith.constant 10 : i32
        %mul3A_465 = arith.constant 8 : i32
        %mul3A_466 = arith.muli %add3A_421, %mul3A_465 : i32
        %add3A_467 = arith.addi %mul3A_466, %add3A_443 : i32
        %mul3A_468 = arith.constant 128 : i32
        %mul3A_469 = arith.muli %add3A_467, %mul3A_468 : i32
        %get3A = arith.index_cast %mul3A_469 : i32 to index
        %get3A_470 = tpu.vector_load %arg5[%get3A] {strides = array<i32>} : memref<16384xi32, #tpu.memory_space<vmem>>, vector<16xi32>,
        %ne3A = arith.constant 0 : i32
        %ne3A_471 = vector.broadcast %ne3A : i32 to vector<16xi32>
        %ne3A_472 = arith.cmpi ne, %get3A_470, %ne3A_471 : vector<16xi32>
        %all_reduce_population_count3A = tpu.all_reduce %ne3A_472 {dim = 0 : i64, kind = #tpu.reduction_kind<sum>} : vector<16xi1> -> vector<16xi32>
        %add3A_473 = arith.constant 16 : i32
        %add3A_474 = arith.addi %mul3A_469, %add3A_473 : i32
        %get3A_475 = arith.index_cast %add3A_474 : i32 to index
        %get3A_476 = tpu.vector_load %arg5[%get3A_475] {strides = array<i32>} : memref<16384xi32, #tpu.memory_space<vmem>>, vector<16xi32>,
        %ne3A_477 = arith.constant 0 : i32
        %ne3A_478 = vector.broadcast %ne3A_477 : i32 to vector<16xi32>
        %ne3A_479 = arith.cmpi ne, %get3A_476, %ne3A_478 : vector<16xi32>
        %all_reduce_population_count3A_480 = tpu.all_reduce %ne3A_479 {dim = 0 : i64, kind = #tpu.reduction_kind<sum>} : vector<16xi1> -> vector<16xi32>
        %add3A_481 = arith.addi %all_reduce_population_count3A, %all_reduce_population_count3A_480 : vector<16xi32>
        %add3A_482 = arith.constant 32 : i32
        %add3A_483 = arith.addi %mul3A_469, %add3A_482 : i32
        %get3A_484 = arith.index_cast %add3A_483 : i32 to index
        %get3A_485 = tpu.vector_load %arg5[%get3A_484] {strides = array<i32>} : memref<16384xi32, #tpu.memory_space<vmem>>, vector<16xi32>,
        %ne3A_486 = arith.constant 0 : i32
        %ne3A_487 = vector.broadcast %ne3A_486 : i32 to vector<16xi32>
        %ne3A_488 = arith.cmpi ne, %get3A_485, %ne3A_487 : vector<16xi32>
        %all_reduce_population_count3A_489 = tpu.all_reduce %ne3A_488 {dim = 0 : i64, kind = #tpu.reduction_kind<sum>} : vector<16xi1> -> vector<16xi32>
        %add3A_490 = arith.addi %add3A_481, %all_reduce_population_count3A_489 : vector<16xi32>
        %add3A_491 = arith.constant 48 : i32
        %add3A_492 = arith.addi %mul3A_469, %add3A_491 : i32
        %get3A_493 = arith.index_cast %add3A_492 : i32 to index
        %get3A_494 = tpu.vector_load %arg5[%get3A_493] {strides = array<i32>} : memref<16384xi32, #tpu.memory_space<vmem>>, vector<16xi32>,
        %ne3A_495 = arith.constant 0 : i32
        %ne3A_496 = vector.broadcast %ne3A_495 : i32 to vector<16xi32>
        %ne3A_497 = arith.cmpi ne, %get3A_494, %ne3A_496 : vector<16xi32>
        %all_reduce_population_count3A_498 = tpu.all_reduce %ne3A_497 {dim = 0 : i64, kind = #tpu.reduction_kind<sum>} : vector<16xi1> -> vector<16xi32>
        %add3A_499 = arith.addi %add3A_490, %all_reduce_population_count3A_498 : vector<16xi32>
        %add3A_500 = arith.constant 64 : i32
        %add3A_501 = arith.addi %mul3A_469, %add3A_500 : i32
        %get3A_502 = arith.index_cast %add3A_501 : i32 to index
        %get3A_503 = tpu.vector_load %arg5[%get3A_502] {strides = array<i32>} : memref<16384xi32, #tpu.memory_space<vmem>>, vector<16xi32>,
        %ne3A_504 = arith.constant 0 : i32
        %ne3A_505 = vector.broadcast %ne3A_504 : i32 to vector<16xi32>
        %ne3A_506 = arith.cmpi ne, %get3A_503, %ne3A_505 : vector<16xi32>
        %all_reduce_population_count3A_507 = tpu.all_reduce %ne3A_506 {dim = 0 : i64, kind = #tpu.reduction_kind<sum>} : vector<16xi1> -> vector<16xi32>
        %add3A_508 = arith.addi %add3A_499, %all_reduce_population_count3A_507 : vector<16xi32>
        %add3A_509 = arith.constant 80 : i32
        %add3A_510 = arith.addi %mul3A_469, %add3A_509 : i32
        %get3A_511 = arith.index_cast %add3A_510 : i32 to index
        %get3A_512 = tpu.vector_load %arg5[%get3A_511] {strides = array<i32>} : memref<16384xi32, #tpu.memory_space<vmem>>, vector<16xi32>,
        %ne3A_513 = arith.constant 0 : i32
        %ne3A_514 = vector.broadcast %ne3A_513 : i32 to vector<16xi32>
        %ne3A_515 = arith.cmpi ne, %get3A_512, %ne3A_514 : vector<16xi32>
        %all_reduce_population_count3A_516 = tpu.all_reduce %ne3A_515 {dim = 0 : i64, kind = #tpu.reduction_kind<sum>} : vector<16xi1> -> vector<16xi32>
        %add3A_517 = arith.addi %add3A_508, %all_reduce_population_count3A_516 : vector<16xi32>
        %add3A_518 = arith.constant 96 : i32
        %add3A_519 = arith.addi %mul3A_469, %add3A_518 : i32
        %get3A_520 = arith.index_cast %add3A_519 : i32 to index
        %get3A_521 = tpu.vector_load %arg5[%get3A_520] {strides = array<i32>} : memref<16384xi32, #tpu.memory_space<vmem>>, vector<16xi32>,
        %ne3A_522 = arith.constant 0 : i32
        %ne3A_523 = vector.broadcast %ne3A_522 : i32 to vector<16xi32>
        %ne3A_524 = arith.cmpi ne, %get3A_521, %ne3A_523 : vector<16xi32>
        %all_reduce_population_count3A_525 = tpu.all_reduce %ne3A_524 {dim = 0 : i64, kind = #tpu.reduction_kind<sum>} : vector<16xi1> -> vector<16xi32>
        %add3A_526 = arith.addi %add3A_517, %all_reduce_population_count3A_525 : vector<16xi32>
        %add3A_527 = arith.constant 112 : i32
        %add3A_528 = arith.addi %mul3A_469, %add3A_527 : i32
        %get3A_529 = arith.index_cast %add3A_528 : i32 to index
        %get3A_530 = tpu.vector_load %arg5[%get3A_529] {strides = array<i32>} : memref<16384xi32, #tpu.memory_space<vmem>>, vector<16xi32>,
        %ne3A_531 = arith.constant 0 : i32
        %ne3A_532 = vector.broadcast %ne3A_531 : i32 to vector<16xi32>
        %ne3A_533 = arith.cmpi ne, %get3A_530, %ne3A_532 : vector<16xi32>
        %all_reduce_population_count3A_534 = tpu.all_reduce %ne3A_533 {dim = 0 : i64, kind = #tpu.reduction_kind<sum>} : vector<16xi1> -> vector<16xi32>
        %add3A_535 = arith.addi %add3A_526, %all_reduce_population_count3A_534 : vector<16xi32>
        %convert_element_type3A_536 = arith.sitofp %add3A_535 : vector<16xi32> to vector<16xf32>
        %max3A = arith.constant 1.000000e+00 : f32
        %max3A_537 = vector.broadcast %max3A : f32 to vector<16xf32>
        %max3A_538 = arith.maximumf %convert_element_type3A_536, %max3A_537 : vector<16xf32>
        %div3A = arith.constant 1.000000e+00 : f32
        %div3A_539 = vector.broadcast %div3A : f32 to vector<16xf32>
        %div3A_540 = arith.divf %div3A_539, %max3A_538 : vector<16xf32>
        %mul3A_541 = arith.mulf %scan3A_463#0, %div3A_540 : vector<16xf32>
        %swap3A = arith.index_cast %add3A_443 : i32 to index
        %swap3A_542 = arith.constant 0 : index
        %swap3A_543 = tpu.vector_load %arg9[%swap3A, %swap3A_542] {strides = array<i32>} : memref<8x128xf32, #tpu.memory_space<vmem>>, vector<16xf32>,
        tpu.vector_store %arg9[%swap3A, %swap3A_542], %mul3A_541 {strides = array<i32>} : memref<8x128xf32, #tpu.memory_space<vmem>>, vector<16xf32>,
        %mul3A_544 = arith.mulf %scan3A_463#1, %div3A_540 : vector<16xf32>
        %swap3A_545 = arith.index_cast %add3A_443 : i32 to index
        %swap3A_546 = arith.constant 16 : index
        %swap3A_547 = tpu.vector_load %arg9[%swap3A_545, %swap3A_546] {strides = array<i32>} : memref<8x128xf32, #tpu.memory_space<vmem>>, vector<16xf32>,
        tpu.vector_store %arg9[%swap3A_545, %swap3A_546], %mul3A_544 {strides = array<i32>} : memref<8x128xf32, #tpu.memory_space<vmem>>, vector<16xf32>,
        %mul3A_548 = arith.mulf %scan3A_463#2, %div3A_540 : vector<16xf32>
        %swap3A_549 = arith.index_cast %add3A_443 : i32 to index
        %swap3A_550 = arith.constant 32 : index
        %swap3A_551 = tpu.vector_load %arg9[%swap3A_549, %swap3A_550] {strides = array<i32>} : memref<8x128xf32, #tpu.memory_space<vmem>>, vector<16xf32>,
        tpu.vector_store %arg9[%swap3A_549, %swap3A_550], %mul3A_548 {strides = array<i32>} : memref<8x128xf32, #tpu.memory_space<vmem>>, vector<16xf32>,
        %mul3A_552 = arith.mulf %scan3A_463#3, %div3A_540 : vector<16xf32>
        %swap3A_553 = arith.index_cast %add3A_443 : i32 to index
        %swap3A_554 = arith.constant 48 : index
        %swap3A_555 = tpu.vector_load %arg9[%swap3A_553, %swap3A_554] {strides = array<i32>} : memref<8x128xf32, #tpu.memory_space<vmem>>, vector<16xf32>,
        tpu.vector_store %arg9[%swap3A_553, %swap3A_554], %mul3A_552 {strides = array<i32>} : memref<8x128xf32, #tpu.memory_space<vmem>>, vector<16xf32>,
        %mul3A_556 = arith.mulf %scan3A_463#4, %div3A_540 : vector<16xf32>
        %swap3A_557 = arith.index_cast %add3A_443 : i32 to index
        %swap3A_558 = arith.constant 64 : index
        %swap3A_559 = tpu.vector_load %arg9[%swap3A_557, %swap3A_558] {strides = array<i32>} : memref<8x128xf32, #tpu.memory_space<vmem>>, vector<16xf32>,
        tpu.vector_store %arg9[%swap3A_557, %swap3A_558], %mul3A_556 {strides = array<i32>} : memref<8x128xf32, #tpu.memory_space<vmem>>, vector<16xf32>,
        %mul3A_560 = arith.mulf %scan3A_463#5, %div3A_540 : vector<16xf32>
        %swap3A_561 = arith.index_cast %add3A_443 : i32 to index
        %swap3A_562 = arith.constant 80 : index
        %swap3A_563 = tpu.vector_load %arg9[%swap3A_561, %swap3A_562] {strides = array<i32>} : memref<8x128xf32, #tpu.memory_space<vmem>>, vector<16xf32>,
        tpu.vector_store %arg9[%swap3A_561, %swap3A_562], %mul3A_560 {strides = array<i32>} : memref<8x128xf32, #tpu.memory_space<vmem>>, vector<16xf32>,
        %mul3A_564 = arith.mulf %scan3A_463#6, %div3A_540 : vector<16xf32>
        %swap3A_565 = arith.index_cast %add3A_443 : i32 to index
        %swap3A_566 = arith.constant 96 : index
        %swap3A_567 = tpu.vector_load %arg9[%swap3A_565, %swap3A_566] {strides = array<i32>} : memref<8x128xf32, #tpu.memory_space<vmem>>, vector<16xf32>,
        tpu.vector_store %arg9[%swap3A_565, %swap3A_566], %mul3A_564 {strides = array<i32>} : memref<8x128xf32, #tpu.memory_space<vmem>>, vector<16xf32>,
        %mul3A_568 = arith.mulf %scan3A_463#7, %div3A_540 : vector<16xf32>
        %swap3A_569 = arith.index_cast %add3A_443 : i32 to index
        %swap3A_570 = arith.constant 112 : index
        %swap3A_571 = tpu.vector_load %arg9[%swap3A_569, %swap3A_570] {strides = array<i32>} : memref<8x128xf32, #tpu.memory_space<vmem>>, vector<16xf32>,
        tpu.vector_store %arg9[%swap3A_569, %swap3A_570], %mul3A_568 {strides = array<i32>} : memref<8x128xf32, #tpu.memory_space<vmem>>, vector<16xf32>,
      }
      %scan3A_434 = arith.constant 8 : i32
      %dma_start3A_435 = arith.constant 0 : i32
      %dma_start3A_436 = tpu.memref_slice %arg4[%add3A_424, %dma_start3A_435] : memref<4096x128xf32, #tpu.memory_space<hbm>> -> memref<8x128xf32, #tpu.memory_space<hbm>>
      %dma_start3A_437 = arith.constant 0 : i32
      %dma_start3A_438 = tpu.memref_slice %arg4[%add3A_424, %dma_start3A_437] : memref<4096x128xf32, #tpu.memory_space<hbm>> -> memref<8x128xf32, #tpu.memory_space<hbm>>
      tpu.enqueue_dma source(%arg9 : memref<8x128xf32, #tpu.memory_space<vmem>>) target(%dma_start3A_438 : memref<8x128xf32, #tpu.memory_space<hbm>>) target_semaphore(%arg13 : memref<!tpu.dma_semaphore, #tpu.memory_space<semaphore_mem>>)
    }
    %scan3A_71 = arith.constant 8 : i32
    %dma_wait3A = arith.constant 0 : i32
    %dma_wait3A_72 = tpu.memref_slice %arg4[%mul3A_2, %dma_wait3A] : memref<4096x128xf32, #tpu.memory_space<hbm>> -> memref<8x128xf32, #tpu.memory_space<hbm>>
    %dma_wait3A_73 = arith.constant 0 : i32
    %dma_wait3A_74 = tpu.memref_slice %arg4[%mul3A_2, %dma_wait3A_73] : memref<4096x128xf32, #tpu.memory_space<hbm>> -> memref<8x128xf32, #tpu.memory_space<hbm>>
    tpu.wait_dma2 semaphore(%arg12 : memref<!tpu.dma_semaphore, #tpu.memory_space<semaphore_mem>>) src(%arg8 : memref<8x128xf32, #tpu.memory_space<vmem>>) dst(%dma_wait3A_74 : memref<8x128xf32, #tpu.memory_space<hbm>>)
    %dma_wait3A_75 = arith.constant 0 : i32
    %dma_wait3A_76 = tpu.memref_slice %arg4[%mul3A_2, %dma_wait3A_75] : memref<4096x128xf32, #tpu.memory_space<hbm>> -> memref<8x128xf32, #tpu.memory_space<hbm>>
    %dma_wait3A_77 = arith.constant 0 : i32
    %dma_wait3A_78 = tpu.memref_slice %arg4[%mul3A_2, %dma_wait3A_77] : memref<4096x128xf32, #tpu.memory_space<hbm>> -> memref<8x128xf32, #tpu.memory_space<hbm>>
    tpu.wait_dma2 semaphore(%arg13 : memref<!tpu.dma_semaphore, #tpu.memory_space<semaphore_mem>>) src(%arg9 : memref<8x128xf32, #tpu.memory_space<vmem>>) dst(%dma_wait3A_78 : memref<8x128xf32, #tpu.memory_space<hbm>>)
    return
  }
}

module attributes {stable_mosaic.version = 14 : i64} {
  func.func @_mlp_body(%arg0: i32, %arg1: memref<2048x128xf32, #tpu.memory_space<vmem>>, %arg2: memref<1024x128xbf16, #tpu.memory_space<vmem>>, %arg3: memref<1x1024xf32, #tpu.memory_space<vmem>>, %arg4: memref<1024x1024xbf16, #tpu.memory_space<vmem>>, %arg5: memref<1x1024xf32, #tpu.memory_space<vmem>>, %arg6: memref<128x1024xbf16, #tpu.memory_space<vmem>>, %arg7: memref<1x128xf32, #tpu.memory_space<vmem>>, %arg8: memref<2048x128xf32, #tpu.memory_space<vmem>>) attributes {dimension_semantics = [#tpu.dimension_semantics<arbitrary>], iteration_bounds = array<i64: 2>, scalar_prefetch = 0 : i64, scratch_operands = 0 : i64, tpu.core_type = #tpu.core_type<tc>, window_params = [{transform_indices = @transform_0, window_bounds = array<i64: 2048, 128>}, {pipeline_mode = #tpu.pipeline_mode<synchronous>, transform_indices = @transform_1, window_bounds = array<i64: 1024, 128>}, {pipeline_mode = #tpu.pipeline_mode<synchronous>, transform_indices = @transform_2, window_bounds = array<i64: 1, 1024>}, {pipeline_mode = #tpu.pipeline_mode<synchronous>, transform_indices = @transform_3, window_bounds = array<i64: 1024, 1024>}, {pipeline_mode = #tpu.pipeline_mode<synchronous>, transform_indices = @transform_4, window_bounds = array<i64: 1, 1024>}, {pipeline_mode = #tpu.pipeline_mode<synchronous>, transform_indices = @transform_5, window_bounds = array<i64: 128, 1024>}, {pipeline_mode = #tpu.pipeline_mode<synchronous>, transform_indices = @transform_6, window_bounds = array<i64: 1, 128>}, {transform_indices = @transform_7, window_bounds = array<i64: 2048, 128>}]} {
    %get3A = arith.constant 0 : index
    %get3A_0 = arith.constant 0 : index
    %get3A_1 = vector.load %arg1[%get3A, %get3A_0] : memref<2048x128xf32, #tpu.memory_space<vmem>>, vector<2048x128xf32>
    %convert_element_type3A = arith.truncf %get3A_1 : vector<2048x128xf32> to vector<2048x128xbf16>
    %get3A_2 = arith.constant 0 : index
    %get3A_3 = arith.constant 0 : index
    %get3A_4 = vector.load %arg2[%get3A_2, %get3A_3] : memref<1024x128xbf16, #tpu.memory_space<vmem>>, vector<1024x128xbf16>
    %dot_general3A = arith.constant dense<0.000000e+00> : vector<2048x1024xf32>
    %dot_general3A_5 = tpu.matmul %convert_element_type3A, %get3A_4, %dot_general3A {dimension_numbers = #tpu.dot_dimension_numbers<[1], [1], [0], [0], [0, 0, 1, 0], [], []>, transpose_lhs_hint = false} : vector<2048x128xbf16>, vector<1024x128xbf16>, vector<2048x1024xf32> -> vector<2048x1024xf32>
    %get3A_6 = arith.constant 0 : index
    %get3A_7 = arith.constant 0 : index
    %get3A_8 = vector.load %arg3[%get3A_6, %get3A_7] : memref<1x1024xf32, #tpu.memory_space<vmem>>, vector<1x1024xf32>
    %add3A = vector.broadcast %get3A_8 : vector<1x1024xf32> to vector<2048x1024xf32>
    %add3A_9 = arith.addf %dot_general3A_5, %add3A : vector<2048x1024xf32>
    %max3A = arith.constant 0.000000e+00 : f32
    %max3A_10 = vector.broadcast %max3A : f32 to vector<2048x1024xf32>
    %max3A_11 = arith.maximumf %add3A_9, %max3A_10 : vector<2048x1024xf32>
    %convert_element_type3A_12 = arith.truncf %max3A_11 : vector<2048x1024xf32> to vector<2048x1024xbf16>
    %get3A_13 = arith.constant 0 : index
    %get3A_14 = arith.constant 0 : index
    %get3A_15 = vector.load %arg4[%get3A_13, %get3A_14] : memref<1024x1024xbf16, #tpu.memory_space<vmem>>, vector<1024x1024xbf16>
    %dot_general3A_16 = arith.constant dense<0.000000e+00> : vector<2048x1024xf32>
    %dot_general3A_17 = tpu.matmul %convert_element_type3A_12, %get3A_15, %dot_general3A_16 {dimension_numbers = #tpu.dot_dimension_numbers<[1], [1], [0], [0], [0, 0, 1, 0], [], []>, transpose_lhs_hint = false} : vector<2048x1024xbf16>, vector<1024x1024xbf16>, vector<2048x1024xf32> -> vector<2048x1024xf32>
    %get3A_18 = arith.constant 0 : index
    %get3A_19 = arith.constant 0 : index
    %get3A_20 = vector.load %arg5[%get3A_18, %get3A_19] : memref<1x1024xf32, #tpu.memory_space<vmem>>, vector<1x1024xf32>
    %add3A_21 = vector.broadcast %get3A_20 : vector<1x1024xf32> to vector<2048x1024xf32>
    %add3A_22 = arith.addf %dot_general3A_17, %add3A_21 : vector<2048x1024xf32>
    %max3A_23 = arith.constant 0.000000e+00 : f32
    %max3A_24 = vector.broadcast %max3A_23 : f32 to vector<2048x1024xf32>
    %max3A_25 = arith.maximumf %add3A_22, %max3A_24 : vector<2048x1024xf32>
    %convert_element_type3A_26 = arith.truncf %max3A_25 : vector<2048x1024xf32> to vector<2048x1024xbf16>
    %get3A_27 = arith.constant 0 : index
    %get3A_28 = arith.constant 0 : index
    %get3A_29 = vector.load %arg6[%get3A_27, %get3A_28] : memref<128x1024xbf16, #tpu.memory_space<vmem>>, vector<128x1024xbf16>
    %dot_general3A_30 = arith.constant dense<0.000000e+00> : vector<2048x128xf32>
    %dot_general3A_31 = tpu.matmul %convert_element_type3A_26, %get3A_29, %dot_general3A_30 {dimension_numbers = #tpu.dot_dimension_numbers<[1], [1], [0], [0], [0, 0, 1, 0], [], []>, transpose_lhs_hint = false} : vector<2048x1024xbf16>, vector<128x1024xbf16>, vector<2048x128xf32> -> vector<2048x128xf32>
    %get3A_32 = arith.constant 0 : index
    %get3A_33 = arith.constant 0 : index
    %get3A_34 = vector.load %arg7[%get3A_32, %get3A_33] : memref<1x128xf32, #tpu.memory_space<vmem>>, vector<1x128xf32>
    %add3A_35 = vector.broadcast %get3A_34 : vector<1x128xf32> to vector<2048x128xf32>
    %add3A_36 = arith.addf %dot_general3A_31, %add3A_35 : vector<2048x128xf32>
    %swap3A = arith.constant 0 : index
    %swap3A_37 = arith.constant 0 : index
    %swap3A_38 = vector.load %arg8[%swap3A, %swap3A_37] : memref<2048x128xf32, #tpu.memory_space<vmem>>, vector<2048x128xf32>
    tpu.vector_store %arg8[%swap3A, %swap3A_37], %add3A_36 {strides = array<i32>} : memref<2048x128xf32, #tpu.memory_space<vmem>>, vector<2048x128xf32>,
    return
  }
  func.func @transform_0(%arg0: i32) -> (i32, i32) {
    %c0_i32 = arith.constant 0 : i32
    %c0_i32_0 = arith.constant 0 : i32
    return %arg0, %c0_i32 : i32, i32
  }
  func.func @transform_1(%arg0: i32) -> (i32, i32) {
    %c0_i32 = arith.constant 0 : i32
    %c0_i32_0 = arith.constant 0 : i32
    %c0_i32_1 = arith.constant 0 : i32
    return %c0_i32, %c0_i32_0 : i32, i32
  }
  func.func @transform_2(%arg0: i32) -> (i32, i32) {
    %c0_i32 = arith.constant 0 : i32
    %c0_i32_0 = arith.constant 0 : i32
    %c0_i32_1 = arith.constant 0 : i32
    return %c0_i32, %c0_i32_0 : i32, i32
  }
  func.func @transform_3(%arg0: i32) -> (i32, i32) {
    %c0_i32 = arith.constant 0 : i32
    %c0_i32_0 = arith.constant 0 : i32
    %c0_i32_1 = arith.constant 0 : i32
    return %c0_i32, %c0_i32_0 : i32, i32
  }
  func.func @transform_4(%arg0: i32) -> (i32, i32) {
    %c0_i32 = arith.constant 0 : i32
    %c0_i32_0 = arith.constant 0 : i32
    %c0_i32_1 = arith.constant 0 : i32
    return %c0_i32, %c0_i32_0 : i32, i32
  }
  func.func @transform_5(%arg0: i32) -> (i32, i32) {
    %c0_i32 = arith.constant 0 : i32
    %c0_i32_0 = arith.constant 0 : i32
    %c0_i32_1 = arith.constant 0 : i32
    return %c0_i32, %c0_i32_0 : i32, i32
  }
  func.func @transform_6(%arg0: i32) -> (i32, i32) {
    %c0_i32 = arith.constant 0 : i32
    %c0_i32_0 = arith.constant 0 : i32
    %c0_i32_1 = arith.constant 0 : i32
    return %c0_i32, %c0_i32_0 : i32, i32
  }
  func.func @transform_7(%arg0: i32) -> (i32, i32) {
    %c0_i32 = arith.constant 0 : i32
    %c0_i32_0 = arith.constant 0 : i32
    return %arg0, %c0_i32 : i32, i32
  }
}

</mosaic_0001>

<sc_bundles>
// kernel: kernel.4.cloned.1.call-start
scs
__scs_entry_jumppad:
0x0: {  	(pc) =	sbr.rel $0x88, $3  }
0x1: {  	(tag) =	ssettag $0x0;
	lr =	simm.s32 $0x1  }
0x2: {  	[smem:$0x3F99] =	sst lr;
	_ =	strace $0xD0000000  }
0x3: {  	_ = 	snop  }
0x4: {  	_ = 	snop  }
0x5: {  	_ = 	snop  }
0x6: {  	_ = 	snop  }
0x7: {  	_ = 	snop  }
__scs_overlays_trampoline_lowered:
0x8: {  	[smem:$0x3FA8] =	sst s0  }
0x9: {  	[smem:$0x3FA9] =	sst s1  }
0xa: {  	[smem:$0x3FAA] =	sst s2  }
0xb: {  	[smem:$0x3FAB] =	sst s3  }
0xc: {  	[smem:$0x3FAC] =	sst s4  }
0xd: {  	[smem:$0x3FAD] =	sst s5  }
0xe: {  	[smem:$0x3FAE] =	sst s6  }
0xf: {  	[smem:$0x3FAF] =	sst s7  }
0x10: {  	[smem:$0x3FB0] =	sst s8  }
0x11: {  	[smem:$0x3FB1] =	sst s9;
	s0 =	simm.s32 @!p0 $0x0  }
0x12: {  	s1 =	sld [smem:$0x3F97];
	s0 =	simm.s32 @p0 $0x1  }
0x13: {  	[smem:$0x3FB2] =	sst s0;
	s0 =	simm.s32 @!p1 $0x0  }
0x14: {  	s2 =	sld [smem:$0x3F96];
	s0 =	simm.s32 @p1 $0x1  }
0x15: {  	[smem:$0x3FB3] =	sst s0;
	s0 =	simm.s32 @!p2 $0x0  }
0x16: {  	s3 =	sld [smem:$0x3FDB];
	s0 =	simm.s32 @p2 $0x1  }
0x17: {  	s4 =	simm.s32 $0x1BF5;
	[smem:$0x3FB5] =	sst s0  }
0x18: {  	s0 =	sld [smem:$0x3F98];
	_ =	swait.ge [sflag:s4], $0x0  }
0x19: {  	s7 =	sld [smem:$0x3F99]  }
0x1a: {  	s8 =	sadd.s32 $0xFFFFE003, lr  }
0x1b: {  	s9 =	sadd.s32 $0xFFFFFEF7, lr;
	s5 =	simm.s32 $0xFFFFFFFF;
	p2 =	slt.u32 s8, $0xFFFFF086  }
0x1c: {  	p1 =	slt.u32 s9, $0xF7A;
	s5 =	simm.s32 @!p2 $0x0  }
0x1d: {  	s5 =	simm.s32 @p1 $0x1;
	p0 =	seq.s32 s7, s2  }
0x1e: {  	s7 =	smul.u32 @!p0 $0xF7A, s2;
	p2 =	seq.s32 @!p0 s5, $0x0  }
0x1f: {  	s9 =	smul.u32 $0xF7A, s1;
	s8 =	simm.s32 @!p0 $0x1BF5;
	p2 =	por !p2, p0  }
0x20: {  	[sflag:s8] =	ssyncset.s32 @!p0 $0xFFFFF086;
	s6 =	sadd.s32 @!p0 s3, s7;
	s7 =	simm.s32 @!p0 $0x108  }
0x21: {  	s3 =	sadd.s32 s3, s9;
	s6 =	sadd.s32 @!p0 $0x88, s6;
	s7 =	simm.s32 @p2 $0x1082  }
0x22: {  	[simem:s7], [sflag:s8] =	dma.local @!p0 [hbm:s6], $0xF7A  }
0x23: {  	s9 =	sor.u32 $0xD0000000, s2;
	s6 =	simm.s32 $0x108;
	_ =	swait.ge @!p0 [sflag:s8], $0x0  }
0x24: {  	s3 =	sadd.s32 $0x88, s3;
	s6 =	simm.s32 @!p1 $0x1082;
	[sflag:s4] =	ssyncset.s32 $0xFFFFF086  }
0x25: {  	[simem:s6], [sflag:s4] =	dma.local [hbm:s3], $0xF7A  }
0x26: {  	[smem:$0x3F99] =	sst s1;
	(tag) =	ssettag s2;
	_ =	strace s9  }
0x27: {  	s1 =	sld [smem:$0x3FA9]  }
0x28: {  	s2 =	sld [smem:$0x3FAA]  }
0x29: {  	s4 =	sld [smem:$0x3FAC]  }
0x2a: {  	p0 =	seq.s32 s5, $0x0;
	s5 =	sld [smem:$0x3FAD]  }
0x2b: {  	s6 =	sld [smem:$0x3FAE]  }
0x2c: {  	s7 =	sld [smem:$0x3FAF]  }
0x2d: {  	s3 =	simm.s32 $0x108;
	s8 =	sld [smem:$0x3FB0]  }
0x2e: {  	s3 =	simm.s32 @!p0 $0x1082;
	s9 =	sld [smem:$0x3FB1]  }
0x2f: {  	lr =	sadd.s32 s0, s3;
	s0 =	sld [smem:$0x3FA8]  }
0x30: {  	s3 =	sld [smem:$0x3FAB]  }
0x31: {  	[smem:$0x3FB4] =	sst s10  }
0x32: {  	s10 =	sld [smem:$0x3FB2];
	_ =	sdelay $0x3  }
0x33: {  	p0 =	seq.s32 s10, $0x1;
	s10 =	sld [smem:$0x3FB4];
	_ =	sdelay $0x3  }
0x34: {  	[smem:$0x3FB4] =	sst s10  }
0x35: {  	s10 =	sld [smem:$0x3FB3];
	_ =	sdelay $0x3  }
0x36: {  	p1 =	seq.s32 s10, $0x1;
	s10 =	sld [smem:$0x3FB4];
	_ =	sdelay $0x3  }
0x37: {  	[smem:$0x3FB4] =	sst s10  }
0x38: {  	s10 =	sld [smem:$0x3FB5]  }
0x39: {  	_ = 	snop;
	(pc) =	sbr.ind lr, $3  }
0x3a: {  	_ = 	snop  }
0x3b: {  	_ = 	snop  }
0x3c: {  	p2 =	seq.s32 s10, $0x1;
	s10 =	sld [smem:$0x3FB4]  }
0x3d: {  	_ =	shalt  }
0x3e: {  	_ =	shalt  }
0x3f: {  	_ =	shalt  }
0x40: {  	_ =	shalt  }
0x41: {  	_ =	shalt  }
0x42: {  	_ =	shalt  }
0x43: {  	_ =	shalt  }
0x44: {  	_ =	shalt  }
0x45: {  	_ =	shalt  }
0x46: {  	_ =	shalt  }
0x47: {  	_ =	shalt  }
0x48: {  	_ =	shalt  }
0x49: {  	_ =	shalt  }
0x4a: {  	_ =	shalt  }
0x4b: {  	_ =	shalt  }
0x4c: {  	_ =	shalt  }
0x4d: {  	_ =	shalt  }
0x4e: {  	_ =	shalt  }
0x4f: {  	_ =	shalt  }
0x50: {  	_ =	shalt  }
0x51: {  	_ =	shalt  }
0x52: {  	_ =	shalt  }
0x53: {  	_ =	shalt  }
0x54: {  	_ =	shalt  }
0x55: {  	_ =	shalt  }
0x56: {  	_ =	shalt  }
0x57: {  	_ =	shalt  }
0x58: {  	_ =	shalt  }
0x59: {  	_ =	shalt  }
0x5a: {  	_ =	shalt  }
0x5b: {  	_ =	shalt  }
0x5c: {  	_ =	shalt  }
0x5d: {  	_ =	shalt  }
0x5e: {  	_ =	shalt  }
0x5f: {  	_ =	shalt  }
0x60: {  	_ =	shalt  }
0x61: {  	_ =	shalt  }
0x62: {  	_ =	shalt  }
0x63: {  	_ =	shalt  }
0x64: {  	_ =	shalt  }
0x65: {  	_ =	shalt  }
0x66: {  	_ =	shalt  }
0x67: {  	_ =	shalt  }
0x68: {  	_ =	shalt  }
0x69: {  	_ =	shalt  }
0x6a: {  	_ =	shalt  }
0x6b: {  	_ =	shalt  }
0x6c: {  	_ =	shalt  }
0x6d: {  	_ =	shalt  }
0x6e: {  	_ =	shalt  }
0x6f: {  	_ =	shalt  }
0x70: {  	_ =	shalt  }
0x71: {  	_ =	shalt  }
0x72: {  	_ =	shalt  }
0x73: {  	_ =	shalt  }
0x74: {  	_ =	shalt  }
0x75: {  	_ =	shalt  }
0x76: {  	_ =	shalt  }
0x77: {  	_ =	shalt  }
0x78: {  	_ =	shalt  }
0x79: {  	_ =	shalt  }
0x7a: {  	_ =	shalt  }
0x7b: {  	_ =	shalt  }
0x7c: {  	_ =	shalt  }
0x7d: {  	_ =	shalt  }
0x7e: {  	_ =	shalt  }
0x7f: {  	_ =	shalt  }
0x80: {  	_ =	shalt  }
0x81: {  	_ =	shalt  }
0x82: {  	_ =	shalt  }
0x83: {  	_ =	shalt  }
0x84: {  	_ =	shalt  }
0x85: {  	_ =	shalt  }
0x86: {  	_ =	shalt  }
0x87: {  	_ =	shalt  }
.Lfunc_end0:
.L_simem_size_0:
called_computation_lowered:
.L_overlay_start_0:
0x88: {  	s2 =	sld [smem:$0x3FD9]  }
0x89: {  	s3 =	sld [smem:$0x3FFE];
	_ =	sdelay $0x1  }
0x8a: {  	s1 =	srdreg.scid  }
0x8b: {  	s0 =	sand.u32 $0x1, s1  }
0x8c: {  	s17 =	sshll.u32 s0, $0xA;
	s2 =	sadd.s32 s3, s2  }
0x8d: {  	s2 =	sadd.s32 s2, s17  }
0x8e: {  	[smem:$0x3FC0] =	sst s2  }
0x8f: {  	_ = 	snop  }
0x90: {  	s2 =	sld [smem:$0x3FC8]  }
0x91: {  	s18 =	sld [smem:$0x3FD0];
	(tm) =	ssettm $0x1  }
0x92: {  	s4 =	sld [smem:$0x3FFB];
	_ =	sdelay $0x3  }
0x93: {  	_ =	strace s4  }
0x94: {  	s4 =	sld [smem:$0x3FFC];
	_ =	sdelay $0x3  }
0x95: {  	_ =	strace s4  }
0x96: {  	s4 =	sld [smem:$0x3FFD];
	_ =	sdelay $0x3  }
0x97: {  	_ =	strace s4  }
0x98: {  	_ =	strace $0x8FFFFFFF  }
0x99: {  	s19 =	sld [smem:$0x3FDB];
	_ =	sdelay $0x1  }
0x9a: {  	s5 =	simm.s32 $_scs_section_size  }
0x9b: {  	s6 =	simm.s32 $_size__tile_overlayer_lowered;
	s7 =	simm.s32 $_tile_overlayer_lowered  }
0x9c: {  	s22 =	simm.s32 $0x1BFF;
	s21 =	sshll.u32 s7, $0x1;
	s4 =	sadd.s32 s5, s19  }
0x9d: {  	s8 =	simm.s32 $0x0;
	s20 =	sshll.u32 s6, $0x1;
	s6 =	sadd.s32 s21, s4  }
0x9e: {  	[timem:s8], [sflag:s22] =	dma.local [hbm:s6], s20  }
0x9f: {  	_ =	swait.ge [sflag:s22], s20  }
0xa0: {  	s5 =	ssub.s32 $0x0, s20;
	[sflag:s22] =	ssyncset.done $0x0  }
0xa1: {  	[sflag:s22] =	ssyncadd.s32 s5;
	_ =	sdelay $0x1  }
0xa2: {  	s23 =	simm.s32 $0x1B8B  }
0xa3: {  	_ =	swait.ge [sflag:s23], $0x1  }
0xa4: {  	[sflag:s23] =	ssyncset.done $0x0  }
0xa5: {  	s25 =	simm.s32 $0x1B8E;
	s24 =	sld [smem:$0x3FFE];
	[sflag:s23] =	ssyncadd.s32 $0xFFFFFFFF  }
0xa6: {  	s26 =	simm.s32 $execute0_lowered;
	[smem:$0x3FD2] =	sst s25  }
0xa7: {  	s6 =	sshll.u32 s26, $0x1;
	_ =	strace $0x80000046;
	[dreg:$0x1] =	wrdreg $0xFFFFFFFF  }
0xa8: {  	s28 =	simm.s32 $_size_execute0_lowered;
	s4 =	sadd.s32 s4, s6;
	[dreg:$0x0] =	wrdreg $0x0  }
0xa9: {  	s6 =	sshll.u32 s28, $0x1;
	[dreg:$0x2] =	wrdreg s4  }
0xaa: {  	[dreg:$0x3] =	wrdreg s6  }
0xab: {  	[dreg:$0x4] =	wrdreg $0xC0  }
0xac: {  	_ =	task [dreg:s8], $0x5FFFF  }
0xad: {  	[dreg:$0x1] =	wrdreg $0xFFFFFFFF  }
0xae: {  	[dreg:$0x0] =	wrdreg $0x60  }
0xaf: {  	[dreg:$0x2] =	wrdreg s18  }
0xb0: {  	[dreg:$0x3] =	wrdreg s2  }
0xb1: {  	[dreg:$0x4] =	wrdreg s24  }
0xb2: {  	[dreg:$0x5] =	wrdreg $0x9  }
0xb3: {  	_ =	task.clear_ibuf [dreg:s8], $0x6FFFF;
	_ =	strace $0x90000046  }
0xb4: {  	s29 =	simm.s32 $0x9;
	_ =	strace $0x80000048  }
0xb5: {  	_ =	swait.ge [sflag:s29], $0x1  }
0xb6: {  	[sflag:s29] =	ssyncadd.s32 $0xFFFFFFFF  }
0xb7: {  	_ =	strace $0x90000048  }
0xb8: {  	_ =	sfence  }
0xb9: {  	s30 =	sld [smem:$0x0];
	_ =	sdelay $0x2  }
0xba: {  	s31 =	sshll.u32 s1, $0xD;
	s1 =	sshrl.u32 s1, $0x2  }
0xbb: {  	s3 =	sand.u32 $0x4000, s31;
	s1 =	sadd.s32 s1, s30  }
0xbc: {  	s0 =	sor.u32 s3, s0;
	s1 =	sshll.u32 s1, $0x11  }
0xbd: {  	s0 =	sor.u32 s1, s0  }
0xbe: {  	s0 =	sadd.s32 $0x8F2B, s0  }
0xbf: {  	[sflag:s0] =	ssyncadd.remote.s32 $0x1  }
0xc0: {  	_ =	sfence.sel $0xFFFF  }
0xc1: {  	[dreg:$0x0] =	wrdreg $0xFFFFFFFF;
	(pc) =	sbr.abs _section_cstart, $3  }
0xc2: {  	[dreg:$0x1] =	wrdreg $0xFFFFFFFF  }
0xc3: {  	_ =	task.clear_ibuf [dreg:s8], $0x2FFFF;
	_ =	strace $0x9FFFFFFF  }
0xc4: {  	(tm) =	ssettm $0x7FFFFFFF  }
0xc5: {  	_ =	shalt  }
tec
execute0_lowered:
.L_overlay_start_1:
0x0: {  	(tag) =	ssettag $0x1  }
0x1: {  	s0 =	rddreg [dreg:$0x0]  }
0x2: {  	s1 =	rddreg [dreg:$0x1]  }
0x3: {  	s2 =	rddreg [dreg:$0x2]  }
0x4: {  	s3 =	simm.s32 $0x0;
	s4 =	srdreg.scid;
	s5 =	stileid.u32  }
0x5: {  	s8 =	simm.s32 $0x5;
	s9 =	simm.s32 $0x32;
	s25 =	simm.s32 $0x10800  }
0x6: {  	s28 =	simm.s32 $0x13A00;
	s29 =	simm.s32 $0x15300;
	s30 =	simm.s32 $0x16C00  }
0x7: {  	s31 =	simm.s32 $0x18500;
	s10 =	simm.s32 $0x1;
	s11 =	simm.s32 $0x1D000  }
0x8: {  	s12 =	simm.s32 $0x2;
	s13 =	simm.s32 $0x1D400;
	s14 =	simm.s32 $0x3  }
0x9: {  	s15 =	simm.s32 $0x4;
	s16 =	simm.s32 $0x0;
	[smem:$0x7FF] =	sst s3  }
0xa: {  	s4 =	sand.u32 $0x1, s4;
	s5 =	sshll.u32 s5, $0x1;
	_ =	strace $0x80000047  }
0xb: {  	s6 =	ssub.s32 $0x2, s4;
	s5 =	sor.u32 s4, s5;
	s4 =	sadd.s32 $0x1200, s2  }
0xc: {  	s26 =	sshrl.u32 s6, $0x1;
	s7 =	sshll.u32 s5, $0xB;
	s5 =	sshll.u32 s5, $0x7  }
0xd: {  	s2 =	ssub.s32 s6, s26;
	s6 =	sadd.s32 s0, s7;
	s26 =	simm.s32 $0x12100  }
0xe: {  	s0 =	simm.s32 $0x19E00;
	s7 =	smax.u32 s2, $0x1;
	s2 =	simm.s32 $0x1B700  }
.LBB2_1:
0xf: {  	[tilespmem:s3], [sflag:$0x5] =	stream.linear.gather [hbm4b:s6+s3], $0x4000, $0x38;
	[tilespmem:$0x1D800] =	vst v63  }
0x10: {  	_ =	swait.ge [sflag:s8], $0x4000  }
0x11: {  	[sflag:s8] =	ssyncset.done $0x0  }
0x12: {  	s17 =	simm.s32 $0x4000;
	[sflag:s8] =	ssyncadd.s32 $0xFFFFC000  }
0x13: {  	[tilespmem:s17], [sflag:$0x1] =	stream.indirect.gather [hbm4b:s1+s9], $0x80, s3, s9, $0xb8;
	[tilespmem:$0x1D800] =	vst v63  }
0x14: {  	s24 =	simm.s32 $0x80;
	s18 =	simm.s32 $0x5900  }
0x15: {  	[tilespmem:s18], [sflag:$0x1] =	stream.indirect.gather [hbm4b:s1+s9], $0x80, s24, s9, $0xb8;
	[tilespmem:$0x1D800] =	vst v63  }
0x16: {  	s19 =	simm.s32 $0x100;
	s20 =	simm.s32 $0x7200  }
0x17: {  	[tilespmem:s20], [sflag:$0x1] =	stream.indirect.gather [hbm4b:s1+s9], $0x80, s19, s9, $0xb8;
	[tilespmem:$0x1D800] =	vst v63  }
0x18: {  	s21 =	simm.s32 $0x180;
	s22 =	simm.s32 $0x8B00  }
0x19: {  	[tilespmem:s22], [sflag:$0x1] =	stream.indirect.gather [hbm4b:s1+s9], $0x80, s21, s9, $0xb8;
	[tilespmem:$0x1D800] =	vst v63  }
0x1a: {  	s23 =	simm.s32 $0x200;
	s24 =	simm.s32 $0xA400  }
0x1b: {  	[tilespmem:s24], [sflag:$0x1] =	stream.indirect.gather [hbm4b:s1+s9], $0x80, s23, s9, $0xb8;
	[tilespmem:$0x1D800] =	vst v63  }
0x1c: {  	s19 =	simm.s32 $0x280;
	s20 =	simm.s32 $0xBD00  }
0x1d: {  	[tilespmem:s20], [sflag:$0x1] =	stream.indirect.gather [hbm4b:s1+s9], $0x80, s19, s9, $0xb8;
	[tilespmem:$0x1D800] =	vst v63  }
0x1e: {  	s21 =	simm.s32 $0x300;
	s22 =	simm.s32 $0xD600  }
0x1f: {  	[tilespmem:s22], [sflag:$0x1] =	stream.indirect.gather [hbm4b:s1+s9], $0x80, s21, s9, $0xb8;
	[tilespmem:$0x1D800] =	vst v63  }
0x20: {  	s17 =	simm.s32 $0x0;
	s23 =	simm.s32 $0x380;
	s24 =	simm.s32 $0xEF00  }
0x21: {  	[tilespmem:s24], [sflag:$0x1] =	stream.indirect.gather [hbm4b:s1+s9], $0x80, s23, s9, $0xb8;
	[tilespmem:$0x1D800] =	vst v63  }
.LBB2_2:
0x22: {  	s18 =	sshllo.u32 s17, $0x1  }
0x23: {  	s19 =	sshll.u32 s18, $0xA  }
0x24: {  	s19 =	sand.u32 $0x3FFFFC00, s19  }
0x25: {  	[tilespmem:s25], [sflag:$0x2] =	stream.indirect.gather [hbm4b:s1+s9], $0x80, s19, s9, $0xb8;
	[tilespmem:$0x1D800] =	vst v63  }
0x26: {  	s20 =	sor.u32 $0x80, s19  }
0x27: {  	[tilespmem:s26], [sflag:$0x2] =	stream.indirect.gather [hbm4b:s1+s9], $0x80, s20, s9, $0xb8;
	[tilespmem:$0x1D800] =	vst v63  }
0x28: {  	s24 =	sor.u32 $0x100, s19  }
0x29: {  	[tilespmem:s28], [sflag:$0x2] =	stream.indirect.gather [hbm4b:s1+s9], $0x80, s24, s9, $0xb8;
	[tilespmem:$0x1D800] =	vst v63  }
0x2a: {  	s21 =	sor.u32 $0x180, s19  }
0x2b: {  	[tilespmem:s29], [sflag:$0x2] =	stream.indirect.gather [hbm4b:s1+s9], $0x80, s21, s9, $0xb8;
	[tilespmem:$0x1D800] =	vst v63  }
0x2c: {  	s22 =	sor.u32 $0x200, s19  }
0x2d: {  	[tilespmem:s30], [sflag:$0x2] =	stream.indirect.gather [hbm4b:s1+s9], $0x80, s22, s9, $0xb8;
	[tilespmem:$0x1D800] =	vst v63  }
0x2e: {  	s23 =	sor.u32 $0x280, s19  }
0x2f: {  	[tilespmem:s31], [sflag:$0x2] =	stream.indirect.gather [hbm4b:s1+s9], $0x80, s23, s9, $0xb8;
	[tilespmem:$0x1D800] =	vst v63  }
0x30: {  	s24 =	sor.u32 $0x300, s19  }
0x31: {  	[tilespmem:s0], [sflag:$0x2] =	stream.indirect.gather [hbm4b:s1+s9], $0x80, s24, s9, $0xb8;
	[tilespmem:$0x1D800] =	vst v63  }
0x32: {  	s19 =	sor.u32 $0x380, s19  }
0x33: {  	[tilespmem:s2], [sflag:$0x2] =	stream.indirect.gather [hbm4b:s1+s9], $0x80, s19, s9, $0xb8;
	[tilespmem:$0x1D800] =	vst v63  }
0x34: {  	_ =	swait.ge [sflag:s10], $0x1900  }
0x35: {  	[sflag:s10] =	ssyncset.done $0x0  }
0x36: {  	[sflag:s10] =	ssyncadd.s32 $0xFFFFE700  }
0x37: {  	_ =	swait.ge [sflag:s10], $0x1900  }
0x38: {  	[sflag:s10] =	ssyncset.done $0x0  }
0x39: {  	[sflag:s10] =	ssyncadd.s32 $0xFFFFE700  }
0x3a: {  	_ =	swait.ge [sflag:s10], $0x1900  }
0x3b: {  	[sflag:s10] =	ssyncset.done $0x0  }
0x3c: {  	[sflag:s10] =	ssyncadd.s32 $0xFFFFE700  }
0x3d: {  	_ =	swait.ge [sflag:s10], $0x1900  }
0x3e: {  	[sflag:s10] =	ssyncset.done $0x0  }
0x3f: {  	[sflag:s10] =	ssyncadd.s32 $0xFFFFE700  }
0x40: {  	_ =	swait.ge [sflag:s10], $0x1900  }
0x41: {  	[sflag:s10] =	ssyncset.done $0x0  }
0x42: {  	[sflag:s10] =	ssyncadd.s32 $0xFFFFE700  }
0x43: {  	_ =	swait.ge [sflag:s10], $0x1900  }
0x44: {  	[sflag:s10] =	ssyncset.done $0x0  }
0x45: {  	[sflag:s10] =	ssyncadd.s32 $0xFFFFE700  }
0x46: {  	_ =	swait.ge [sflag:s10], $0x1900  }
0x47: {  	[sflag:s10] =	ssyncset.done $0x0  }
0x48: {  	[sflag:s10] =	ssyncadd.s32 $0xFFFFE700  }
0x49: {  	_ =	swait.ge [sflag:s10], $0x1900  }
0x4a: {  	p0 =	seq.s32 s17, $0x0;
	[sflag:s10] =	ssyncset.done $0x0  }
0x4b: {  	s21 =	simm.s32 @!p0 $0x3;
	[sflag:s10] =	ssyncadd.s32 $0xFFFFE700  }
0x4c: {  	s18 =	sshll.u32 s18, $0x3;
	_ =	swait.ge @!p0 [sflag:s21], $0x400  }
0x4d: {  	s22 =	simm.s32 $0x4140;
	s19 =	sshll.u32 s17, $0x4;
	[sflag:s21] =	ssyncset.done @!p0 $0x0  }
0x4e: {  	s20 =	sadd.s32 s5, s19;
	[sflag:s21] =	ssyncadd.s32 @!p0 $0xFFFFFC00;
	s21 =	simm.s32 $0x0  }
.LBB2_3:
0x4f: {  	v2 =	vmov s22;
	_ =	sdelay $0x3  }
0x50: {  	s23 =	simm.s32 $0x0  }
0x51: {  	v5 =	vld.idx.msk [tilespmem:v2+s23+$0xC0 ss:$0x1], $0xffff  }
0x52: {  	v6 =	vld.idx.msk [tilespmem:v2+s23+$0xD0 ss:$0x1], $0xffff  }
0x53: {  	v7 =	vld.idx.msk [tilespmem:v2+s23+$0xE0 ss:$0x1], $0xffff  }
0x54: {  	v8 =	vld.idx.msk [tilespmem:v2+s23+$0xF0 ss:$0x1], $0xffff  }
0x55: {  	v1 =	vld.idx.msk [tilespmem:v2+s23+$0x100 ss:$0x1], $0xffff  }
0x56: {  	v0 =	vld.idx.msk [tilespmem:v2+s23+$0x110 ss:$0x1], $0xffff  }
0x57: {  	v13 =	vld.idx.msk [tilespmem:v2+s23+$0x40 ss:$0x1], $0xffff  }
0x58: {  	v16 =	vld.idx.msk [tilespmem:v2+s23+$0x50 ss:$0x1], $0xffff  }
0x59: {  	v10 =	vld.idx.msk [tilespmem:v2+s23+$0x60 ss:$0x1], $0xffff  }
0x5a: {  	v14 =	vld.idx.msk [tilespmem:v2+s23+$0x70 ss:$0x1], $0xffff  }
0x5b: {  	v4 =	vld.idx.msk [tilespmem:v2+s23+$0x80 ss:$0x1], $0xffff  }
0x5c: {  	v3 =	vld.idx.msk [tilespmem:v2+s23+$0x90 ss:$0x1], $0xffff  }
0x5d: {  	v11 =	vld.idx.msk [tilespmem:v2+s23+$0xFFFFFFC0 ss:$0x1], $0xffff  }
0x5e: {  	v17 =	vld.idx.msk [tilespmem:v2+s23+$0xFFFFFFD0 ss:$0x1], $0xffff  }
0x5f: {  	v21 =	vld.idx.msk [tilespmem:v2+s23+$0xFFFFFFE0 ss:$0x1], $0xffff  }
0x60: {  	v22 =	vld.idx.msk [tilespmem:v2+s23+$0xFFFFFFF0 ss:$0x1], $0xffff  }
0x61: {  	v18 =	vld.idx.msk [tilespmem:v2+s23+$0xFFFFFF40 ss:$0x1], $0xffff  }
0x62: {  	v23 =	vld.idx.msk [tilespmem:v2+s23+$0xFFFFFF50 ss:$0x1], $0xffff  }
0x63: {  	v19 =	vld.idx.msk [tilespmem:v2+s23+$0xFFFFFEC0 ss:$0x1], $0xffff  }
0x64: {  	v20 =	vld.idx.msk [tilespmem:v2+s23+$0xFFFFFED0 ss:$0x1], $0xffff  }
0x65: {  	v24 =	vld.idx.msk [tilespmem:v2+s23+$0xFFFFFEE0 ss:$0x1], $0xffff  }
0x66: {  	v25 =	vld.idx.msk [tilespmem:v2+s23+$0xFFFFFEF0 ss:$0x1], $0xffff  }
0x67: {  	v26 =	vld.idx.msk [tilespmem:v2+s23+$0xFFFFFF60 ss:$0x1], $0xffff  }
0x68: {  	v27 =	vld.idx.msk [tilespmem:v2+s23+$0xFFFFFF70 ss:$0x1], $0xffff  }
0x69: {  	v9 =	vimm.f32 $0.0e+00;
	v15 =	vld.idx.msk [tilespmem:v2+s23+$0x0 ss:$0x1], $0xffff  }
0x6a: {  	v12 =	vld.idx.msk [tilespmem:v2+s23+$0x10 ss:$0x1], $0xffff;
	v28 =	vadd.f32 v19, v9;
	v29 =	vadd.f32 v20, v9  }
0x6b: {  	v19 =	vld.idx.msk [tilespmem:v2+s23+$0xFFFFFF80 ss:$0x1], $0xffff;
	v24 =	vadd.f32 v24, v9;
	v25 =	vadd.f32 v25, v9  }
0x6c: {  	v20 =	vld.idx.msk [tilespmem:v2+s23+$0xFFFFFF90 ss:$0x1], $0xffff;
	v18 =	vadd.f32 v18, v28;
	v29 =	vadd.f32 v23, v29  }
0x6d: {  	v23 =	vld.idx.msk [tilespmem:v2+s23+$0xFFFFFF00 ss:$0x1], $0xffff;
	v26 =	vadd.f32 v26, v24;
	v27 =	vadd.f32 v27, v25  }
0x6e: {  	v24 =	vld.idx.msk [tilespmem:v2+s23+$0xFFFFFF10 ss:$0x1], $0xffff;
	v28 =	vadd.f32 v11, v18;
	v29 =	vadd.f32 v17, v29  }
0x6f: {  	s24 =	simm.s32 $0xA00;
	v25 =	vld.idx.msk [tilespmem:v2+s23+$0xFFFFFF20 ss:$0x1], $0xffff;
	v18 =	vimm.f32 $0.0e+00;
	v17 =	vimm.f32 $0.0e+00;
	v11 =	vimm.f32 $0.0e+00  }
.LBB2_4:
0x70: {  	p1 =	sne.s32 s24, $0x5A00;
	v30 =	vld.idx.msk [tilespmem:v2+s23+$0xFFFFFF30 ss:$0x1], $0xffff;
	v21 =	vadd.f32 v21, v26;
	v22 =	vadd.f32 v22, v27  }
0x71: {  	v26 =	vld.idx.msk [tilespmem:v2+s23+$0xFFFFFFA0 ss:$0x1], $0xffff;
	v13 =	vadd.f32 v13, v28;
	v16 =	vadd.f32 v16, v29  }
0x72: {  	v27 =	vld.idx.msk [tilespmem:v2+s23+$0xFFFFFFB0 ss:$0x1], $0xffff;
	v10 =	vadd.f32 v10, v21;
	v14 =	vadd.f32 v14, v22  }
0x73: {  	v21 =	vld.idx.msk [tilespmem:v2+s23+$0x20 ss:$0x1], $0xffff;
	v28 =	vadd.f32 v5, v13;
	v29 =	vadd.f32 v6, v16  }
0x74: {  	v13 =	vld.idx.msk [tilespmem:v2+s23+$0x30 ss:$0x1], $0xffff;
	v31 =	vadd.f32 v7, v10;
	v32 =	vadd.f32 v8, v14  }
0x75: {  	v5 =	vadd.f32 v23, v9;
	v6 =	vadd.f32 v24, v18;
	v9 =	vld.idx.msk [tilespmem:v2+s23+$0xA0 ss:$0x1], $0xffff  }
0x76: {  	v7 =	vadd.f32 v25, v17;
	v8 =	vadd.f32 v30, v11;
	v10 =	vld.idx.msk [tilespmem:v2+s23+$0xB0 ss:$0x1], $0xffff  }
0x77: {  	v11 =	vadd.f32 v19, v5;
	v6 =	vadd.f32 v20, v6;
	v14 =	vld.idx.msk [tilespmem:v2+s23+$0x120 ss:$0x1], $0xffff  }
0x78: {  	v7 =	vadd.f32 v26, v7;
	v8 =	vadd.f32 v27, v8;
	v16 =	vld.idx.msk [tilespmem:v2+s23+$0x130 ss:$0x1], $0xffff;
	s23 =	sshra.s32 s24, $0x2  }
0x79: {  	v11 =	vadd.f32 v15, v11;
	v12 =	vadd.f32 v12, v6;
	v5 =	vld.idx.msk [tilespmem:v2+s23+$0xC0 ss:$0x1], $0xffff  }
0x7a: {  	v15 =	vadd.f32 v21, v7;
	v13 =	vadd.f32 v13, v8;
	v6 =	vld.idx.msk [tilespmem:v2+s23+$0xD0 ss:$0x1], $0xffff  }
0x7b: {  	v4 =	vadd.f32 v4, v11;
	v3 =	vadd.f32 v3, v12;
	v7 =	vld.idx.msk [tilespmem:v2+s23+$0xE0 ss:$0x1], $0xffff  }
0x7c: {  	v11 =	vadd.f32 v9, v15;
	v10 =	vadd.f32 v10, v13;
	v8 =	vld.idx.msk [tilespmem:v2+s23+$0xF0 ss:$0x1], $0xffff  }
0x7d: {  	v9 =	vadd.f32 v1, v4;
	v18 =	vadd.f32 v0, v3;
	v1 =	vld.idx.msk [tilespmem:v2+s23+$0x100 ss:$0x1], $0xffff  }
0x7e: {  	v17 =	vadd.f32 v14, v11;
	v11 =	vadd.f32 v16, v10;
	v0 =	vld.idx.msk [tilespmem:v2+s23+$0x110 ss:$0x1], $0xffff  }
0x7f: {  	v13 =	vld.idx.msk [tilespmem:v2+s23+$0x40 ss:$0x1], $0xffff  }
0x80: {  	v16 =	vld.idx.msk [tilespmem:v2+s23+$0x50 ss:$0x1], $0xffff  }
0x81: {  	v10 =	vld.idx.msk [tilespmem:v2+s23+$0x60 ss:$0x1], $0xffff  }
0x82: {  	v14 =	vld.idx.msk [tilespmem:v2+s23+$0x70 ss:$0x1], $0xffff  }
0x83: {  	v4 =	vld.idx.msk [tilespmem:v2+s23+$0x80 ss:$0x1], $0xffff  }
0x84: {  	v3 =	vld.idx.msk [tilespmem:v2+s23+$0x90 ss:$0x1], $0xffff  }
0x85: {  	v30 =	vld.idx.msk [tilespmem:v2+s23+$0xFFFFFFC0 ss:$0x1], $0xffff  }
0x86: {  	v33 =	vld.idx.msk [tilespmem:v2+s23+$0xFFFFFFD0 ss:$0x1], $0xffff  }
0x87: {  	v21 =	vld.idx.msk [tilespmem:v2+s23+$0xFFFFFFE0 ss:$0x1], $0xffff  }
0x88: {  	v22 =	vld.idx.msk [tilespmem:v2+s23+$0xFFFFFFF0 ss:$0x1], $0xffff  }
0x89: {  	v24 =	vld.idx.msk [tilespmem:v2+s23+$0xFFFFFF40 ss:$0x1], $0xffff  }
0x8a: {  	v25 =	vld.idx.msk [tilespmem:v2+s23+$0xFFFFFF50 ss:$0x1], $0xffff  }
0x8b: {  	v19 =	vld.idx.msk [tilespmem:v2+s23+$0xFFFFFEC0 ss:$0x1], $0xffff  }
0x8c: {  	v20 =	vld.idx.msk [tilespmem:v2+s23+$0xFFFFFED0 ss:$0x1], $0xffff  }
0x8d: {  	v23 =	vld.idx.msk [tilespmem:v2+s23+$0xFFFFFEE0 ss:$0x1], $0xffff  }
0x8e: {  	v26 =	vld.idx.msk [tilespmem:v2+s23+$0xFFFFFEF0 ss:$0x1], $0xffff  }
0x8f: {  	v27 =	vld.idx.msk [tilespmem:v2+s23+$0xFFFFFF60 ss:$0x1], $0xffff  }
0x90: {  	v34 =	vld.idx.msk [tilespmem:v2+s23+$0xFFFFFF70 ss:$0x1], $0xffff  }
0x91: {  	v15 =	vld.idx.msk [tilespmem:v2+s23+$0x0 ss:$0x1], $0xffff  }
0x92: {  	v12 =	vld.idx.msk [tilespmem:v2+s23+$0x10 ss:$0x1], $0xffff  }
.Ltmp0:
0x93: {  	v28 =	vadd.f32 v19, v28;
	v29 =	vadd.f32 v20, v29;
	v19 =	vld.idx.msk [tilespmem:v2+s23+$0xFFFFFF80 ss:$0x1], $0xffff;
	(pc) =	sbr.rel @p1 .LBB2_4-.Ltmp0, $4  }
0x94: {  	v31 =	vadd.f32 v23, v31;
	v32 =	vadd.f32 v26, v32;
	v20 =	vld.idx.msk [tilespmem:v2+s23+$0xFFFFFF90 ss:$0x1], $0xffff  }
0x95: {  	v28 =	vadd.f32 v24, v28;
	v29 =	vadd.f32 v25, v29;
	v23 =	vld.idx.msk [tilespmem:v2+s23+$0xFFFFFF00 ss:$0x1], $0xffff  }
0x96: {  	v26 =	vadd.f32 v27, v31;
	v27 =	vadd.f32 v34, v32;
	v24 =	vld.idx.msk [tilespmem:v2+s23+$0xFFFFFF10 ss:$0x1], $0xffff  }
0x97: {  	s24 =	sadd.s32 $0xA00, s24;
	v28 =	vadd.f32 v30, v28;
	v29 =	vadd.f32 v33, v29;
	v25 =	vld.idx.msk [tilespmem:v2+s23+$0xFFFFFF20 ss:$0x1], $0xffff  }
0x98: {  	s24 =	sadd.s32 s19, s21  }
0x99: {  	s24 =	sshll.u32 s24, $0x7  }
0x9a: {  	s24 =	sand.u32 $0x3FFFFF80, s24  }
0x9b: {  	v30 =	vld [tilespmem:s24+$0x0]  }
0x9c: {  	v31 =	vld [tilespmem:s24+$0x10]  }
0x9d: {  	v32 =	vld [tilespmem:s24+$0x20]  }
0x9e: {  	v33 =	vld [tilespmem:s24+$0x30]  }
0x9f: {  	v34 =	vld [tilespmem:s24+$0x40]  }
0xa0: {  	v35 =	vld [tilespmem:s24+$0x50]  }
0xa1: {  	v62 =	vld [tilespmem:s24+$0x60];
	vm0 =	vne.s32 v30, $0x0;
	vm1 =	vne.s32 v31, $0x0  }
0xa2: {  	v63 =	vld [tilespmem:s24+$0x70];
	vm10 =	vne.s32 v32, $0x0;
	v36 =	vmpcnt.ones.xlane vm0;
	v37 =	vmpcnt.ones.xlane vm1  }
0xa3: {  	vm11 =	vne.s32 v33, $0x0;
	v32 =	vmpcnt.ones.xlane vm10  }
0xa4: {  	vm12 =	vne.s32 v34, $0x0;
	v41 =	vmpcnt.ones.xlane vm11;
	v40 =	vadd.s32 v36, v37  }
0xa5: {  	vm13 =	vne.s32 v35, $0x0;
	v42 =	vmpcnt.ones.xlane vm12;
	v32 =	vadd.s32 v32, v40  }
0xa6: {  	vm14 =	vne.s32 v62, $0x0;
	v43 =	vmpcnt.ones.xlane vm13;
	v32 =	vadd.s32 v41, v32  }
0xa7: {  	vm15 =	vne.s32 v63, $0x0;
	v45 =	vmpcnt.ones.xlane vm14;
	v44 =	vadd.s32 v42, v32  }
0xa8: {  	v31 =	vmpcnt.ones.xlane vm15;
	v30 =	vadd.s32 v43, v44  }
0xa9: {  	v30 =	vadd.s32 v45, v30  }
0xaa: {  	v30 =	vadd.s32 v31, v30  }
0xab: {  	v30 =	vcvt.s32.f32 v30;
	_ =	sdelay $0x1  }
0xac: {  	v30 =	vmax.f32 v30, $1.000000000e+00  }
0xad: {  	v21 =	vadd.f32 v21, v26;
	v22 =	vadd.f32 v22, v27;
	(erf) = vrcp.f32 v30  }
0xae: {  	v13 =	vadd.f32 v13, v28;
	v16 =	vadd.f32 v16, v29  }
0xaf: {  	v46 =	vld.idx.msk [tilespmem:v2+s23+$0xFFFFFF30 ss:$0x1], $0xffff;
	v10 =	vadd.f32 v10, v21;
	v14 =	vadd.f32 v14, v22  }
0xb0: {  	v47 =	vld.idx.msk [tilespmem:v2+s23+$0xFFFFFFA0 ss:$0x1], $0xffff;
	v9 =	vadd.f32 v23, v9;
	v5 =	vadd.f32 v5, v13  }
0xb1: {  	v48 =	vld.idx.msk [tilespmem:v2+s23+$0xFFFFFFB0 ss:$0x1], $0xffff;
	v6 =	vadd.f32 v6, v16;
	v50 =	vadd.f32 v24, v18  }
0xb2: {  	v49 =	vld.idx.msk [tilespmem:v2+s23+$0x20 ss:$0x1], $0xffff;
	v7 =	vadd.f32 v7, v10;
	v8 =	vadd.f32 v8, v14  }
0xb3: {  	v51 =	vld.idx.msk [tilespmem:v2+s23+$0x30 ss:$0x1], $0xffff;
	v17 =	vadd.f32 v25, v17;
	v9 =	vadd.f32 v19, v9  }
0xb4: {  	v52 =	vld.idx.msk [tilespmem:v2+s23+$0xA0 ss:$0x1], $0xffff;
	v11 =	vadd.f32 v46, v11;
	v14 =	vadd.f32 v20, v50  }
0xb5: {  	v53 =	vld.idx.msk [tilespmem:v2+s23+$0xB0 ss:$0x1], $0xffff;
	v17 =	vadd.f32 v47, v17;
	v9 =	vadd.f32 v15, v9  }
0xb6: {  	v54 =	vld.idx.msk [tilespmem:v2+s23+$0x120 ss:$0x1], $0xffff;
	v11 =	vadd.f32 v48, v11;
	v12 =	vadd.f32 v12, v14;
	v55 =	vpop (erf)  }
0xb7: {  	v56 =	vld.idx.msk [tilespmem:v2+s23+$0x130 ss:$0x1], $0xffff;
	s24 =	sshll.u32 s21, $0x7;
	v10 =	vadd.f32 v49, v17;
	v4 =	vadd.f32 v4, v9;
	v5 =	vmul.f32 v55, v5  }
0xb8: {  	s23 =	sand.u32 $0x3FFFFF80, s24;
	v57 =	vadd.f32 v51, v11;
	v3 =	vadd.f32 v3, v12;
	v6 =	vmul.f32 v55, v6  }
0xb9: {  	v10 =	vadd.f32 v52, v10;
	v1 =	vadd.f32 v1, v4;
	v58 =	vmul.f32 v55, v7;
	[tilespmem:s23+$0x1D000] =	vst v5  }
0xba: {  	s21 =	sadd.s32 $0x1, s21;
	v59 =	vadd.f32 v53, v57;
	v0 =	vadd.f32 v0, v3;
	v60 =	vmul.f32 v55, v8;
	[tilespmem:s23+$0x1D010] =	vst v6  }
0xbb: {  	p1 =	sne.s32 s21, $0x8;
	v61 =	vadd.f32 v54, v10;
	v1 =	vmul.f32 v55, v1;
	[tilespmem:s23+$0x1D020] =	vst v58  }
.Ltmp1:
0xbc: {  	v2 =	vadd.f32 v56, v59;
	v0 =	vmul.f32 v55, v0;
	[tilespmem:s23+$0x1D030] =	vst v60;
	(pc) =	sbr.rel @p1 .LBB2_3-.Ltmp1, $4  }
0xbd: {  	v62 =	vmul.f32 v55, v61;
	[tilespmem:s23+$0x1D040] =	vst v1  }
0xbe: {  	v63 =	vmul.f32 v55, v2;
	[tilespmem:s23+$0x1D050] =	vst v0  }
0xbf: {  	[tilespmem:s23+$0x1D060] =	vst v62  }
0xc0: {  	s22 =	sadd.s32 $0x1900, s22;
	[tilespmem:s23+$0x1D070] =	vst v63  }
0xc1: {  	s19 =	sshll.u32 s20, $0x4  }
0xc2: {  	p1 =	seq.s32 s17, $0x7;
	s19 =	sadd.s32 s4, s19  }
0xc3: {  	[hbm4b:s19+s3] =	stream.linear.scatter [tilespmem:s11], [sflag:$0x3], $0x400, $0x38;
	[tilespmem:$0x1D800] =	vst v63  }
0xc4: {  	s19 =	sshll.u32 @!p1 s17, $0xB  }
0xc5: {  	s19 =	sand.u32 @!p1 $0x3FFFF800, s19  }
0xc6: {  	s21 =	simm.s32 @!p1 $0x32;
	s22 =	simm.s32 @!p1 $0x4000;
	s20 =	sadd.s32 @!p1 $0x800, s19  }
0xc7: {  	[tilespmem:s22], [sflag:$0x1] =	stream.indirect.gather @!p1 [hbm4b:s1+s21], $0x80, s20, s21, $0xb8;
	[tilespmem:$0x1D800] =	vst v63  }
0xc8: {  	s20 =	sadd.s32 @!p1 $0x880, s19;
	s22 =	simm.s32 @!p1 $0x5900  }
0xc9: {  	[tilespmem:s22], [sflag:$0x1] =	stream.indirect.gather @!p1 [hbm4b:s1+s21], $0x80, s20, s21, $0xb8;
	[tilespmem:$0x1D800] =	vst v63  }
0xca: {  	s20 =	sadd.s32 @!p1 $0x900, s19;
	s22 =	simm.s32 @!p1 $0x7200  }
0xcb: {  	[tilespmem:s22], [sflag:$0x1] =	stream.indirect.gather @!p1 [hbm4b:s1+s21], $0x80, s20, s21, $0xb8;
	[tilespmem:$0x1D800] =	vst v63  }
0xcc: {  	s20 =	sadd.s32 @!p1 $0x980, s19;
	s22 =	simm.s32 @!p1 $0x8B00  }
0xcd: {  	[tilespmem:s22], [sflag:$0x1] =	stream.indirect.gather @!p1 [hbm4b:s1+s21], $0x80, s20, s21, $0xb8;
	[tilespmem:$0x1D800] =	vst v63  }
0xce: {  	s20 =	sadd.s32 @!p1 $0xA00, s19;
	s22 =	simm.s32 @!p1 $0xA400  }
0xcf: {  	[tilespmem:s22], [sflag:$0x1] =	stream.indirect.gather @!p1 [hbm4b:s1+s21], $0x80, s20, s21, $0xb8;
	[tilespmem:$0x1D800] =	vst v63  }
0xd0: {  	s20 =	sadd.s32 @!p1 $0xA80, s19;
	s22 =	simm.s32 @!p1 $0xBD00  }
0xd1: {  	[tilespmem:s22], [sflag:$0x1] =	stream.indirect.gather @!p1 [hbm4b:s1+s21], $0x80, s20, s21, $0xb8;
	[tilespmem:$0x1D800] =	vst v63  }
0xd2: {  	s20 =	sadd.s32 @!p1 $0xB00, s19;
	s22 =	simm.s32 @!p1 $0xD600  }
0xd3: {  	[tilespmem:s22], [sflag:$0x1] =	stream.indirect.gather @!p1 [hbm4b:s1+s21], $0x80, s20, s21, $0xb8;
	[tilespmem:$0x1D800] =	vst v63  }
0xd4: {  	s19 =	sadd.s32 @!p1 $0xB80, s19;
	s20 =	simm.s32 @!p1 $0xEF00  }
0xd5: {  	[tilespmem:s20], [sflag:$0x1] =	stream.indirect.gather @!p1 [hbm4b:s1+s21], $0x80, s19, s21, $0xb8;
	[tilespmem:$0x1D800] =	vst v63  }
0xd6: {  	_ =	swait.ge [sflag:s12], $0x1900  }
0xd7: {  	[sflag:s12] =	ssyncset.done $0x0  }
0xd8: {  	[sflag:s12] =	ssyncadd.s32 $0xFFFFE700  }
0xd9: {  	_ =	swait.ge [sflag:s12], $0x1900  }
0xda: {  	[sflag:s12] =	ssyncset.done $0x0  }
0xdb: {  	[sflag:s12] =	ssyncadd.s32 $0xFFFFE700  }
0xdc: {  	_ =	swait.ge [sflag:s12], $0x1900  }
0xdd: {  	[sflag:s12] =	ssyncset.done $0x0  }
0xde: {  	[sflag:s12] =	ssyncadd.s32 $0xFFFFE700  }
0xdf: {  	_ =	swait.ge [sflag:s12], $0x1900  }
0xe0: {  	[sflag:s12] =	ssyncset.done $0x0  }
0xe1: {  	[sflag:s12] =	ssyncadd.s32 $0xFFFFE700  }
0xe2: {  	_ =	swait.ge [sflag:s12], $0x1900  }
0xe3: {  	[sflag:s12] =	ssyncset.done $0x0  }
0xe4: {  	[sflag:s12] =	ssyncadd.s32 $0xFFFFE700  }
0xe5: {  	_ =	swait.ge [sflag:s12], $0x1900  }
0xe6: {  	[sflag:s12] =	ssyncset.done $0x0  }
0xe7: {  	[sflag:s12] =	ssyncadd.s32 $0xFFFFE700  }
0xe8: {  	_ =	swait.ge [sflag:s12], $0x1900  }
0xe9: {  	[sflag:s12] =	ssyncset.done $0x0  }
0xea: {  	[sflag:s12] =	ssyncadd.s32 $0xFFFFE700  }
0xeb: {  	_ =	swait.ge [sflag:s12], $0x1900  }
0xec: {  	[sflag:s12] =	ssyncset.done $0x0  }
0xed: {  	s20 =	simm.s32 @!p0 $0x4;
	[sflag:s12] =	ssyncadd.s32 $0xFFFFE700  }
0xee: {  	_ =	swait.ge @!p0 [sflag:s20], $0x400  }
0xef: {  	s19 =	sadd.s32 s5, s18;
	[sflag:s20] =	ssyncset.done @!p0 $0x0  }
0xf0: {  	s21 =	simm.s32 $0x10940;
	[sflag:s20] =	ssyncadd.s32 @!p0 $0xFFFFFC00;
	s20 =	simm.s32 $0x0  }
.LBB2_7:
0xf1: {  	v2 =	vmov s21;
	_ =	sdelay $0x3  }
0xf2: {  	s22 =	simm.s32 $0x0  }
0xf3: {  	v5 =	vld.idx.msk [tilespmem:v2+s22+$0xC0 ss:$0x1], $0xffff  }
0xf4: {  	v6 =	vld.idx.msk [tilespmem:v2+s22+$0xD0 ss:$0x1], $0xffff  }
0xf5: {  	v7 =	vld.idx.msk [tilespmem:v2+s22+$0xE0 ss:$0x1], $0xffff  }
0xf6: {  	v8 =	vld.idx.msk [tilespmem:v2+s22+$0xF0 ss:$0x1], $0xffff  }
0xf7: {  	v1 =	vld.idx.msk [tilespmem:v2+s22+$0x100 ss:$0x1], $0xffff  }
0xf8: {  	v0 =	vld.idx.msk [tilespmem:v2+s22+$0x110 ss:$0x1], $0xffff  }
0xf9: {  	v13 =	vld.idx.msk [tilespmem:v2+s22+$0x40 ss:$0x1], $0xffff  }
0xfa: {  	v16 =	vld.idx.msk [tilespmem:v2+s22+$0x50 ss:$0x1], $0xffff  }
0xfb: {  	v10 =	vld.idx.msk [tilespmem:v2+s22+$0x60 ss:$0x1], $0xffff  }
0xfc: {  	v14 =	vld.idx.msk [tilespmem:v2+s22+$0x70 ss:$0x1], $0xffff  }
0xfd: {  	v4 =	vld.idx.msk [tilespmem:v2+s22+$0x80 ss:$0x1], $0xffff  }
0xfe: {  	v3 =	vld.idx.msk [tilespmem:v2+s22+$0x90 ss:$0x1], $0xffff  }
0xff: {  	v11 =	vld.idx.msk [tilespmem:v2+s22+$0xFFFFFFC0 ss:$0x1], $0xffff  }
0x100: {  	v17 =	vld.idx.msk [tilespmem:v2+s22+$0xFFFFFFD0 ss:$0x1], $0xffff  }
0x101: {  	v21 =	vld.idx.msk [tilespmem:v2+s22+$0xFFFFFFE0 ss:$0x1], $0xffff  }
0x102: {  	v22 =	vld.idx.msk [tilespmem:v2+s22+$0xFFFFFFF0 ss:$0x1], $0xffff  }
0x103: {  	v18 =	vld.idx.msk [tilespmem:v2+s22+$0xFFFFFF40 ss:$0x1], $0xffff  }
0x104: {  	v23 =	vld.idx.msk [tilespmem:v2+s22+$0xFFFFFF50 ss:$0x1], $0xffff  }
0x105: {  	v19 =	vld.idx.msk [tilespmem:v2+s22+$0xFFFFFEC0 ss:$0x1], $0xffff  }
0x106: {  	v20 =	vld.idx.msk [tilespmem:v2+s22+$0xFFFFFED0 ss:$0x1], $0xffff  }
0x107: {  	v24 =	vld.idx.msk [tilespmem:v2+s22+$0xFFFFFEE0 ss:$0x1], $0xffff  }
0x108: {  	v25 =	vld.idx.msk [tilespmem:v2+s22+$0xFFFFFEF0 ss:$0x1], $0xffff  }
0x109: {  	v26 =	vld.idx.msk [tilespmem:v2+s22+$0xFFFFFF60 ss:$0x1], $0xffff  }
0x10a: {  	v27 =	vld.idx.msk [tilespmem:v2+s22+$0xFFFFFF70 ss:$0x1], $0xffff  }
0x10b: {  	v9 =	vimm.f32 $0.0e+00;
	v15 =	vld.idx.msk [tilespmem:v2+s22+$0x0 ss:$0x1], $0xffff  }
0x10c: {  	v12 =	vld.idx.msk [tilespmem:v2+s22+$0x10 ss:$0x1], $0xffff;
	v28 =	vadd.f32 v19, v9;
	v29 =	vadd.f32 v20, v9  }
0x10d: {  	v19 =	vld.idx.msk [tilespmem:v2+s22+$0xFFFFFF80 ss:$0x1], $0xffff;
	v24 =	vadd.f32 v24, v9;
	v25 =	vadd.f32 v25, v9  }
0x10e: {  	v20 =	vld.idx.msk [tilespmem:v2+s22+$0xFFFFFF90 ss:$0x1], $0xffff;
	v18 =	vadd.f32 v18, v28;
	v29 =	vadd.f32 v23, v29  }
0x10f: {  	v23 =	vld.idx.msk [tilespmem:v2+s22+$0xFFFFFF00 ss:$0x1], $0xffff;
	v26 =	vadd.f32 v26, v24;
	v27 =	vadd.f32 v27, v25  }
0x110: {  	v24 =	vld.idx.msk [tilespmem:v2+s22+$0xFFFFFF10 ss:$0x1], $0xffff;
	v28 =	vadd.f32 v11, v18;
	v29 =	vadd.f32 v17, v29  }
0x111: {  	s23 =	simm.s32 $0xA00;
	v25 =	vld.idx.msk [tilespmem:v2+s22+$0xFFFFFF20 ss:$0x1], $0xffff;
	v18 =	vimm.f32 $0.0e+00;
	v17 =	vimm.f32 $0.0e+00;
	v11 =	vimm.f32 $0.0e+00  }
.LBB2_8:
0x112: {  	p0 =	sne.s32 s23, $0x5A00;
	v30 =	vld.idx.msk [tilespmem:v2+s22+$0xFFFFFF30 ss:$0x1], $0xffff;
	v21 =	vadd.f32 v21, v26;
	v22 =	vadd.f32 v22, v27  }
0x113: {  	v26 =	vld.idx.msk [tilespmem:v2+s22+$0xFFFFFFA0 ss:$0x1], $0xffff;
	v13 =	vadd.f32 v13, v28;
	v16 =	vadd.f32 v16, v29  }
0x114: {  	v27 =	vld.idx.msk [tilespmem:v2+s22+$0xFFFFFFB0 ss:$0x1], $0xffff;
	v10 =	vadd.f32 v10, v21;
	v14 =	vadd.f32 v14, v22  }
0x115: {  	v21 =	vld.idx.msk [tilespmem:v2+s22+$0x20 ss:$0x1], $0xffff;
	v28 =	vadd.f32 v5, v13;
	v29 =	vadd.f32 v6, v16  }
0x116: {  	v13 =	vld.idx.msk [tilespmem:v2+s22+$0x30 ss:$0x1], $0xffff;
	v31 =	vadd.f32 v7, v10;
	v32 =	vadd.f32 v8, v14  }
0x117: {  	v5 =	vadd.f32 v23, v9;
	v6 =	vadd.f32 v24, v18;
	v9 =	vld.idx.msk [tilespmem:v2+s22+$0xA0 ss:$0x1], $0xffff  }
0x118: {  	v7 =	vadd.f32 v25, v17;
	v8 =	vadd.f32 v30, v11;
	v10 =	vld.idx.msk [tilespmem:v2+s22+$0xB0 ss:$0x1], $0xffff  }
0x119: {  	v11 =	vadd.f32 v19, v5;
	v6 =	vadd.f32 v20, v6;
	v14 =	vld.idx.msk [tilespmem:v2+s22+$0x120 ss:$0x1], $0xffff  }
0x11a: {  	v7 =	vadd.f32 v26, v7;
	v8 =	vadd.f32 v27, v8;
	v16 =	vld.idx.msk [tilespmem:v2+s22+$0x130 ss:$0x1], $0xffff;
	s22 =	sshra.s32 s23, $0x2  }
0x11b: {  	v11 =	vadd.f32 v15, v11;
	v12 =	vadd.f32 v12, v6;
	v5 =	vld.idx.msk [tilespmem:v2+s22+$0xC0 ss:$0x1], $0xffff  }
0x11c: {  	v15 =	vadd.f32 v21, v7;
	v13 =	vadd.f32 v13, v8;
	v6 =	vld.idx.msk [tilespmem:v2+s22+$0xD0 ss:$0x1], $0xffff  }
0x11d: {  	v4 =	vadd.f32 v4, v11;
	v3 =	vadd.f32 v3, v12;
	v7 =	vld.idx.msk [tilespmem:v2+s22+$0xE0 ss:$0x1], $0xffff  }
0x11e: {  	v11 =	vadd.f32 v9, v15;
	v10 =	vadd.f32 v10, v13;
	v8 =	vld.idx.msk [tilespmem:v2+s22+$0xF0 ss:$0x1], $0xffff  }
0x11f: {  	v9 =	vadd.f32 v1, v4;
	v18 =	vadd.f32 v0, v3;
	v1 =	vld.idx.msk [tilespmem:v2+s22+$0x100 ss:$0x1], $0xffff  }
0x120: {  	v17 =	vadd.f32 v14, v11;
	v11 =	vadd.f32 v16, v10;
	v0 =	vld.idx.msk [tilespmem:v2+s22+$0x110 ss:$0x1], $0xffff  }
0x121: {  	v13 =	vld.idx.msk [tilespmem:v2+s22+$0x40 ss:$0x1], $0xffff  }
0x122: {  	v16 =	vld.idx.msk [tilespmem:v2+s22+$0x50 ss:$0x1], $0xffff  }
0x123: {  	v10 =	vld.idx.msk [tilespmem:v2+s22+$0x60 ss:$0x1], $0xffff  }
0x124: {  	v14 =	vld.idx.msk [tilespmem:v2+s22+$0x70 ss:$0x1], $0xffff  }
0x125: {  	v4 =	vld.idx.msk [tilespmem:v2+s22+$0x80 ss:$0x1], $0xffff  }
0x126: {  	v3 =	vld.idx.msk [tilespmem:v2+s22+$0x90 ss:$0x1], $0xffff  }
0x127: {  	v30 =	vld.idx.msk [tilespmem:v2+s22+$0xFFFFFFC0 ss:$0x1], $0xffff  }
0x128: {  	v33 =	vld.idx.msk [tilespmem:v2+s22+$0xFFFFFFD0 ss:$0x1], $0xffff  }
0x129: {  	v21 =	vld.idx.msk [tilespmem:v2+s22+$0xFFFFFFE0 ss:$0x1], $0xffff  }
0x12a: {  	v22 =	vld.idx.msk [tilespmem:v2+s22+$0xFFFFFFF0 ss:$0x1], $0xffff  }
0x12b: {  	v24 =	vld.idx.msk [tilespmem:v2+s22+$0xFFFFFF40 ss:$0x1], $0xffff  }
0x12c: {  	v25 =	vld.idx.msk [tilespmem:v2+s22+$0xFFFFFF50 ss:$0x1], $0xffff  }
0x12d: {  	v19 =	vld.idx.msk [tilespmem:v2+s22+$0xFFFFFEC0 ss:$0x1], $0xffff  }
0x12e: {  	v20 =	vld.idx.msk [tilespmem:v2+s22+$0xFFFFFED0 ss:$0x1], $0xffff  }
0x12f: {  	v23 =	vld.idx.msk [tilespmem:v2+s22+$0xFFFFFEE0 ss:$0x1], $0xffff  }
0x130: {  	v26 =	vld.idx.msk [tilespmem:v2+s22+$0xFFFFFEF0 ss:$0x1], $0xffff  }
0x131: {  	v27 =	vld.idx.msk [tilespmem:v2+s22+$0xFFFFFF60 ss:$0x1], $0xffff  }
0x132: {  	v34 =	vld.idx.msk [tilespmem:v2+s22+$0xFFFFFF70 ss:$0x1], $0xffff  }
0x133: {  	v15 =	vld.idx.msk [tilespmem:v2+s22+$0x0 ss:$0x1], $0xffff  }
0x134: {  	v12 =	vld.idx.msk [tilespmem:v2+s22+$0x10 ss:$0x1], $0xffff  }
.Ltmp2:
0x135: {  	v28 =	vadd.f32 v19, v28;
	v29 =	vadd.f32 v20, v29;
	v19 =	vld.idx.msk [tilespmem:v2+s22+$0xFFFFFF80 ss:$0x1], $0xffff;
	(pc) =	sbr.rel @p0 .LBB2_8-.Ltmp2, $4  }
0x136: {  	v31 =	vadd.f32 v23, v31;
	v32 =	vadd.f32 v26, v32;
	v20 =	vld.idx.msk [tilespmem:v2+s22+$0xFFFFFF90 ss:$0x1], $0xffff  }
0x137: {  	v28 =	vadd.f32 v24, v28;
	v29 =	vadd.f32 v25, v29;
	v23 =	vld.idx.msk [tilespmem:v2+s22+$0xFFFFFF00 ss:$0x1], $0xffff  }
0x138: {  	v26 =	vadd.f32 v27, v31;
	v27 =	vadd.f32 v34, v32;
	v24 =	vld.idx.msk [tilespmem:v2+s22+$0xFFFFFF10 ss:$0x1], $0xffff  }
0x139: {  	s23 =	sadd.s32 $0xA00, s23;
	v28 =	vadd.f32 v30, v28;
	v29 =	vadd.f32 v33, v29;
	v25 =	vld.idx.msk [tilespmem:v2+s22+$0xFFFFFF20 ss:$0x1], $0xffff  }
0x13a: {  	s23 =	sadd.s32 s18, s20  }
0x13b: {  	s23 =	sshll.u32 s23, $0x7  }
0x13c: {  	s23 =	sand.u32 $0x3FFFFF80, s23  }
0x13d: {  	v30 =	vld [tilespmem:s23+$0x0]  }
0x13e: {  	v31 =	vld [tilespmem:s23+$0x10]  }
0x13f: {  	v32 =	vld [tilespmem:s23+$0x20]  }
0x140: {  	v33 =	vld [tilespmem:s23+$0x30]  }
0x141: {  	v34 =	vld [tilespmem:s23+$0x40]  }
0x142: {  	v35 =	vld [tilespmem:s23+$0x50]  }
0x143: {  	v62 =	vld [tilespmem:s23+$0x60];
	vm0 =	vne.s32 v30, $0x0;
	vm1 =	vne.s32 v31, $0x0  }
0x144: {  	v63 =	vld [tilespmem:s23+$0x70];
	vm10 =	vne.s32 v32, $0x0;
	v36 =	vmpcnt.ones.xlane vm0;
	v37 =	vmpcnt.ones.xlane vm1  }
0x145: {  	vm11 =	vne.s32 v33, $0x0;
	v32 =	vmpcnt.ones.xlane vm10  }
0x146: {  	vm12 =	vne.s32 v34, $0x0;
	v41 =	vmpcnt.ones.xlane vm11;
	v40 =	vadd.s32 v36, v37  }
0x147: {  	vm13 =	vne.s32 v35, $0x0;
	v42 =	vmpcnt.ones.xlane vm12;
	v32 =	vadd.s32 v32, v40  }
0x148: {  	vm14 =	vne.s32 v62, $0x0;
	v43 =	vmpcnt.ones.xlane vm13;
	v32 =	vadd.s32 v41, v32  }
0x149: {  	vm15 =	vne.s32 v63, $0x0;
	v45 =	vmpcnt.ones.xlane vm14;
	v44 =	vadd.s32 v42, v32  }
0x14a: {  	v31 =	vmpcnt.ones.xlane vm15;
	v30 =	vadd.s32 v43, v44  }
0x14b: {  	v30 =	vadd.s32 v45, v30  }
0x14c: {  	v30 =	vadd.s32 v31, v30  }
0x14d: {  	v30 =	vcvt.s32.f32 v30;
	_ =	sdelay $0x1  }
0x14e: {  	v30 =	vmax.f32 v30, $1.000000000e+00  }
0x14f: {  	v21 =	vadd.f32 v21, v26;
	v22 =	vadd.f32 v22, v27;
	(erf) = vrcp.f32 v30  }
0x150: {  	v13 =	vadd.f32 v13, v28;
	v16 =	vadd.f32 v16, v29  }
0x151: {  	v46 =	vld.idx.msk [tilespmem:v2+s22+$0xFFFFFF30 ss:$0x1], $0xffff;
	v10 =	vadd.f32 v10, v21;
	v14 =	vadd.f32 v14, v22  }
0x152: {  	v47 =	vld.idx.msk [tilespmem:v2+s22+$0xFFFFFFA0 ss:$0x1], $0xffff;
	v9 =	vadd.f32 v23, v9;
	v5 =	vadd.f32 v5, v13  }
0x153: {  	v48 =	vld.idx.msk [tilespmem:v2+s22+$0xFFFFFFB0 ss:$0x1], $0xffff;
	v6 =	vadd.f32 v6, v16;
	v50 =	vadd.f32 v24, v18  }
0x154: {  	v49 =	vld.idx.msk [tilespmem:v2+s22+$0x20 ss:$0x1], $0xffff;
	v7 =	vadd.f32 v7, v10;
	v8 =	vadd.f32 v8, v14  }
0x155: {  	v51 =	vld.idx.msk [tilespmem:v2+s22+$0x30 ss:$0x1], $0xffff;
	v17 =	vadd.f32 v25, v17;
	v9 =	vadd.f32 v19, v9  }
0x156: {  	v52 =	vld.idx.msk [tilespmem:v2+s22+$0xA0 ss:$0x1], $0xffff;
	v11 =	vadd.f32 v46, v11;
	v14 =	vadd.f32 v20, v50  }
0x157: {  	v53 =	vld.idx.msk [tilespmem:v2+s22+$0xB0 ss:$0x1], $0xffff;
	v17 =	vadd.f32 v47, v17;
	v9 =	vadd.f32 v15, v9  }
0x158: {  	v54 =	vld.idx.msk [tilespmem:v2+s22+$0x120 ss:$0x1], $0xffff;
	v11 =	vadd.f32 v48, v11;
	v12 =	vadd.f32 v12, v14;
	v55 =	vpop (erf)  }
0x159: {  	v56 =	vld.idx.msk [tilespmem:v2+s22+$0x130 ss:$0x1], $0xffff;
	s24 =	sshll.u32 s20, $0x7;
	v10 =	vadd.f32 v49, v17;
	v4 =	vadd.f32 v4, v9;
	v5 =	vmul.f32 v55, v5  }
0x15a: {  	s22 =	sand.u32 $0x3FFFFF80, s24;
	v57 =	vadd.f32 v51, v11;
	v3 =	vadd.f32 v3, v12;
	v6 =	vmul.f32 v55, v6  }
0x15b: {  	v10 =	vadd.f32 v52, v10;
	v1 =	vadd.f32 v1, v4;
	v58 =	vmul.f32 v55, v7;
	[tilespmem:s22+$0x1D400] =	vst v5  }
0x15c: {  	s20 =	sadd.s32 $0x1, s20;
	v59 =	vadd.f32 v53, v57;
	v0 =	vadd.f32 v0, v3;
	v60 =	vmul.f32 v55, v8;
	[tilespmem:s22+$0x1D410] =	vst v6  }
0x15d: {  	p0 =	sne.s32 s20, $0x8;
	v61 =	vadd.f32 v54, v10;
	v1 =	vmul.f32 v55, v1;
	[tilespmem:s22+$0x1D420] =	vst v58  }
.Ltmp3:
0x15e: {  	v2 =	vadd.f32 v56, v59;
	v0 =	vmul.f32 v55, v0;
	[tilespmem:s22+$0x1D430] =	vst v60;
	(pc) =	sbr.rel @p0 .LBB2_7-.Ltmp3, $4  }
0x15f: {  	v62 =	vmul.f32 v55, v61;
	[tilespmem:s22+$0x1D440] =	vst v1  }
0x160: {  	v63 =	vmul.f32 v55, v2;
	[tilespmem:s22+$0x1D450] =	vst v0  }
0x161: {  	[tilespmem:s22+$0x1D460] =	vst v62  }
0x162: {  	s21 =	sadd.s32 $0x1900, s21;
	[tilespmem:s22+$0x1D470] =	vst v63  }
0x163: {  	s17 =	sadd.s32 $0x1, s17  }
0x164: {  	p0 =	sne.s32 s17, $0x8  }
.Ltmp4:
0x165: {  	_ = 	snop;
	(pc) =	sbr.rel @p0 .LBB2_2-.Ltmp4, $4  }
0x166: {  	_ = 	snop  }
0x167: {  	s18 =	sshll.u32 s19, $0x4  }
0x168: {  	s18 =	sadd.s32 s4, s18  }
0x169: {  	[hbm4b:s18+s3] =	stream.linear.scatter [tilespmem:s13], [sflag:$0x4], $0x400, $0x38;
	[tilespmem:$0x1D800] =	vst v63  }
0x16a: {  	s16 =	sadd.s32 $0x1, s16  }
0x16b: {  	_ =	swait.ge [sflag:s14], $0x400;
	p0 =	sne.s32 s16, s7  }
.Ltmp5:
0x16c: {  	[sflag:s14] =	ssyncset.done $0x0;
	(pc) =	sbr.rel @p0 .LBB2_1-.Ltmp5, $4  }
0x16d: {  	[sflag:s14] =	ssyncadd.s32 $0xFFFFFC00  }
0x16e: {  	_ =	swait.ge [sflag:s15], $0x400  }
0x16f: {  	[sflag:s15] =	ssyncset.done $0x0  }
0x170: {  	[sflag:s15] =	ssyncadd.s32 $0xFFFFFC00  }
0x171: {  	_ =	sfence.sel $0x180000  }
0x172: {  	[bflag:$0x0] =	sbarrier.arrive $0xFFFF  }
0x173: {  	_ =	strace $0x90000047  }
0x174: {  	s0 =	stileid.u32;
	[bflag:$0x2] =	sbarrier.arrive $0xFFFF  }
0x175: {  	p0 =	sne.s32 s0, $0x0;
	s0 =	rddreg [dreg:$0x3]  }
0x176: {  	s0 =	sadd.s32 @!p0 $0x100000, s0  }
0x177: {  	[sflag:s0] =	ssyncadd.tile.s32 @!p0 $0x1;
	_ =	shalt  }
.Lfunc_end2:
_tile_overlayer_lowered:
.L_overlay_start_2:
0x178: {  	(tag) =	ssettag $0x2  }
0x179: {  	s0 =	rddreg [dreg:$0x0];
	s2 =	stileid.u32  }
0x17a: {  	s1 =	rddreg [dreg:$0x1];
	p0 =	sne.s32 s2, $0x0  }
0x17b: {  	s3 =	rddreg [dreg:$0x2];
	[bflag:$0x3] =	sbarrier.arrive $0xFFFF;
	s2 =	simm.s32 @!p0 $0x1C05  }
0x17c: {  	[timem:s3], [sflag:s2] =	dma.local @!p0 [hbm:s0], s1  }
0x17d: {  	s0 =	simm.s32 @!p0 $0x5  }
0x17e: {  	_ =	swait.ge @!p0 [sflag:s0], s1  }
0x17f: {  	s1 =	ssub.s32 @!p0 $0x0, s1;
	[sflag:s0] =	ssyncset.done @!p0 $0x0  }
0x180: {  	[sflag:s0] =	ssyncadd.s32 @!p0 s1  }
0x181: {  	[bflag:$0x3] =	sbarrier.arrive $0xFFFF  }
0x182: {  	_ =	shalt  }

</sc_bundles>
